<compile_context>
chip_gen: v7x
topology: tpu7x:2x2x1
jax: 0.10.2.dev20260603
libtpu: 0.0.44.dev20260713+nightly
codegen_flags: <defaults>
</compile_context>

<pallas_src>
import functools

import jax
import jax.numpy as jnp
from jax import lax
from jax.experimental import pallas as pl
from jax.experimental.pallas import tpu as pltpu
from jax.experimental.pallas import tpu_sc as plsc

_B, _S, _A, _D, _C, _K = 16, 512, 8, 512, 1024, 34
_SA = _S * _A
_NW = 32
_ROWS_W = (_B * _C) // _NW
_CHUNK = 64
_NCHUNK = _ROWS_W // _CHUNK
_ROWS_TC = 4096
_KP = 128


def _gather_body(batch0, nrows, wr_hbm, idx_hbm, out_hbm,
                 idx_v, buf0, buf1, sem0, sem1):
    wid = lax.axis_index("s") * 2 + lax.axis_index("c")
    rows_w = nrows // _NW
    nchunk = rows_w // _CHUNK
    wpb = _C // rows_w
    base_row = wid * rows_w
    row_off = (batch0 + wid // wpb) * _SA
    pltpu.sync_copy(idx_hbm.at[pl.ds(base_row, rows_w)], idx_v)
    for j in range(rows_w // 16):
        sl = pl.ds(j * 16, 16)
        idx_v[sl] = idx_v[sl] + row_off
    bufs = (buf0, buf1)
    sems = (sem0, sem1)
    copies = [
        pltpu.make_async_copy(
            wr_hbm.at[idx_v.at[pl.ds(g * _CHUNK, _CHUNK)]],
            bufs[g % 2], sems[g % 2])
        for g in range(nchunk)
    ]
    copies[0].start()
    for g in range(nchunk):
        if g + 1 < nchunk:
            copies[g + 1].start()
        copies[g].wait()
        pltpu.sync_copy(bufs[g % 2],
                        out_hbm.at[pl.ds(base_row + g * _CHUNK, _CHUNK)])


def _sc_gather(wr_flat, cidx_half, batch0, nrows):
    mesh = plsc.VectorSubcoreMesh(core_axis_name="c", subcore_axis_name="s")
    kern = functools.partial(
        pl.kernel, functools.partial(_gather_body, batch0, nrows), mesh=mesh,
        out_type=jax.ShapeDtypeStruct((nrows, _D), jnp.float32),
        scratch_types=[
            pltpu.VMEM((nrows // _NW,), jnp.int32),
            pltpu.VMEM((_CHUNK, _D), jnp.float32),
            pltpu.VMEM((_CHUNK, _D), jnp.float32),
            pltpu.SemaphoreType.DMA,
            pltpu.SemaphoreType.DMA,
        ],
    )()
    return kern(wr_flat, cidx_half)


def _classify_body(x_ref, wt_ref, bias_ref, red_ref, lab_ref,
                   loss_ref, bcp_ref):
    i = pl.program_id(0)
    x = x_ref[...]
    logits = jnp.dot(x, wt_ref[...], preferred_element_type=jnp.float32)
    lg = logits + bias_ref[...]
    kio = lax.broadcasted_iota(jnp.int32, (_ROWS_TC, _KP), 1)
    m = jnp.max(lg, axis=-1, keepdims=True)
    e = jnp.exp(lg - m)
    ind = (lg >= m).astype(jnp.float32)
    sel = jnp.where(kio == lab_ref[...], lg, 0.0)
    es = jnp.dot(e, red_ref[...], preferred_element_type=jnp.float32)
    inds = jnp.dot(ind, red_ref[...], preferred_element_type=jnp.float32)
    lls = jnp.dot(sel, red_ref[...], preferred_element_type=jnp.float32)
    logz = m + jnp.log(es[:, 0:1])
    ll = lls[:, 0:1]
    eb = lax.shift_right_logical(
        lax.bitcast_convert_type(inds[:, 1:2], jnp.int32), 23)
    bcp_ref[...] = lax.div(127 - eb, 2)

    @pl.when(i == 0)
    def _():
        loss_ref[...] = jnp.zeros_like(loss_ref)

    loss_ref[...] += jnp.sum(logz - ll, keepdims=True)


def _tc_classify(cand_half, wt, bias, red, lab2):
    nrows = cand_half.shape[0]
    grid = nrows // _ROWS_TC
    return pl.pallas_call(
        _classify_body,
        grid=(grid,),
        in_specs=[
            pl.BlockSpec((_ROWS_TC, _D), lambda i: (i, 0)),
            pl.BlockSpec((_D, _KP), lambda i: (0, 0)),
            pl.BlockSpec((1, _KP), lambda i: (0, 0)),
            pl.BlockSpec((_KP, _KP), lambda i: (0, 0)),
            pl.BlockSpec((_ROWS_TC, 1), lambda i: (i, 0)),
        ],
        out_specs=[
            pl.BlockSpec((1, 1), lambda i: (0, 0)),
            pl.BlockSpec((_ROWS_TC, 1), lambda i: (i, 0)),
        ],
        out_shape=[
            jax.ShapeDtypeStruct((1, 1), jnp.float32),
            jax.ShapeDtypeStruct((nrows, 1), jnp.int32),
        ],
    )(cand_half, wt, bias, red, lab2)


def _predict_body(idx_hbm, bcp_hbm, out_hbm, mask_hbm, idx_v, val_v, table,
                  mbuf):
    wid = lax.axis_index("s") * 2 + lax.axis_index("c")

    @pl.when(wid < _B)
    def _():
        pltpu.sync_copy(idx_hbm.at[wid], idx_v.at[pl.ds(0, _C)])
        pltpu.sync_copy(bcp_hbm.at[wid], val_v)
        zv = jnp.zeros((16,), jnp.int32)

        def zbody(t, carry):
            table[pl.ds(t * 16, 16)] = zv
            return carry

        lax.fori_loop(0, _SA // 16, zbody, 0)
        iota = lax.iota(jnp.int32, 16)

        def gbody(g, carry):
            base = g * 16
            sl = pl.ds(base, 16)
            iv = idx_v[sl]
            vv = val_v[sl]
            mbuf[sl] = jnp.where(iv != 0, 1.0, 0.0).astype(jnp.float32)
            keep = jnp.ones((16,), jnp.bool_)
            for s in range(1, 16):
                shifted = idx_v[pl.ds(base + s, 16)]
                dup = (iv == shifted) & (iota < (16 - s))
                keep = keep & jnp.logical_not(dup)
            plsc.store_scatter(table, [iv], vv, mask=keep)
            return carry

        lax.fori_loop(0, _C // 16, gbody, 0)
        pltpu.sync_copy(table, out_hbm.at[wid])
        pltpu.sync_copy(mbuf, mask_hbm.at[wid])


def _sc_predict(cidx, bcp):
    mesh = plsc.VectorSubcoreMesh(core_axis_name="c", subcore_axis_name="s")
    kern = functools.partial(
        pl.kernel, _predict_body, mesh=mesh,
        out_type=[
            jax.ShapeDtypeStruct((_B, _SA), jnp.int32),
            jax.ShapeDtypeStruct((_B, _C), jnp.float32),
        ],
        scratch_types=[
            pltpu.VMEM((_C + 16,), jnp.int32),
            pltpu.VMEM((_C,), jnp.int32),
            pltpu.VMEM((_SA,), jnp.int32),
            pltpu.VMEM((_C,), jnp.float32),
        ],
        compiler_params=pltpu.CompilerParams(needs_layout_passes=False),
    )()
    return kern(cidx, bcp)


def kernel(word_mask, word_repr, candidates_idx, candidate_label, anchor_loc,
           anchor_label, anchor_cls, batch_candidate_num, key_candidates,
           key_candidate_mask, key_candidate_len, key_candidate_loc, W, b):
    wr_flat = word_repr.reshape(_B * _SA, _D)
    cidx_flat = candidates_idx.reshape(-1)

    wt = jnp.zeros((_D, _KP), jnp.float32).at[:, :_K].set(W.T)
    bias = jnp.full((1, _KP), -1e30, jnp.float32).at[0, :_K].set(b)
    kar = jnp.arange(_KP, dtype=jnp.float32)
    red = jnp.zeros((_KP, _KP), jnp.float32)
    red = red.at[:, 0].set(1.0).at[:, 1].set(jnp.exp2(-2.0 * kar))
    lab_flat = candidate_label.reshape(_B * _C, 1)

    cand_flat = _sc_gather(wr_flat, cidx_flat, 0, _B * _C)
    loss0, bcp2 = _tc_classify(cand_flat, wt, bias, red, lab_flat)

    loss = loss0[0, 0] / float(_B * _C)
    bcp = bcp2.reshape(_B, _C)
    pred, mask = _sc_predict(candidates_idx, bcp)

    return (loss, pred.reshape(_B, _S, _A),
            cand_flat.reshape(_B, _C, _D), candidate_label,
            bcp, mask)

# --- scband reference (transcript-rebuilt; emitter-appended) ---
"""Pipeline reference for scband-roi-layer-85383949844581 (READ-ONLY COPY).

The authoritative reference and input builder live on the scoring server;
editing this copy changes nothing except your own understanding.
"""

import jax, jax.numpy as jnp
import numpy as np


def setup_inputs(seed: int = 0) -> dict:
    key = jax.random.key(seed)
    ks = jax.random.split(key, 12)
    B, S, A, D, C, K = 16, 512, 8, 512, 1024, 34
    word_mask = jnp.ones((B, S), dtype=jnp.float32)
    word_repr = jax.random.normal(ks[0], (B, S, A, D), dtype=jnp.float32)
    candidates_idx = jax.random.randint(ks[1], (B, C), 0, S * A, dtype=jnp.int64 if jax.config.jax_enable_x64 else jnp.int32).astype(jnp.int32)
    candidate_label = jax.random.randint(ks[2], (B, C), 0, K).astype(jnp.int32)
    anchor_loc = jax.random.randint(ks[3], (B, S * A), 0, S).astype(jnp.int32)
    anchor_label = jax.random.randint(ks[4], (B, S * A), 0, K).astype(jnp.int32)
    anchor_cls = jax.random.randint(ks[5], (B, S * A), 0, K).astype(jnp.int32)
    key_candidates = jax.random.normal(ks[6], (B, C, D), dtype=jnp.float32)
    key_candidate_mask = jnp.ones((B, C), dtype=jnp.float32)
    key_candidate_len = jax.random.randint(ks[7], (B,), 1, C).astype(jnp.int32)
    key_candidate_loc = jax.random.randint(ks[8], (B, C), 0, S).astype(jnp.int32)
    W = jax.random.normal(ks[9], (K, D), dtype=jnp.float32) * 0.02
    b = jnp.zeros((K,), dtype=jnp.float32)
    return {
        'word_mask': word_mask,
        'word_repr': word_repr,
        'candidates_idx': candidates_idx,
        'candidate_label': candidate_label,
        'anchor_loc': anchor_loc,
        'anchor_label': anchor_label,
        'anchor_cls': anchor_cls,
        'batch_candidate_num': 1024,
        'key_candidates': key_candidates,
        'key_candidate_mask': key_candidate_mask,
        'key_candidate_len': key_candidate_len,
        'key_candidate_loc': key_candidate_loc,
        'W': W,
        'b': b,
    }


def reference(word_mask, word_repr, candidates_idx, candidate_label, anchor_loc,
              anchor_label, anchor_cls, batch_candidate_num, key_candidates,
              key_candidate_mask, key_candidate_len, key_candidate_loc, W, b):
    B, S, A, D = word_repr.shape
    C = candidates_idx.shape[1]
    K = W.shape[0]
    # CandidateRepresentationLayer: gather candidate anchor representations
    flat = word_repr.reshape(B, S * A, D)
    cand_repr = jnp.take_along_axis(flat, candidates_idx[:, :, None], axis=1)  # (B, C, D)
    candidate_mask = (candidates_idx != 0).astype(jnp.float32)
    # use_att == False branch: linear classifier
    logits = jnp.einsum('bcd,kd->bck', cand_repr, W) + b  # (B, C, K)
    logits_flat = logits.reshape(B * C, K)
    labels_flat = candidate_label.reshape(B * C)
    # CrossEntropyLoss
    logz = jax.nn.logsumexp(logits_flat, axis=-1)
    ll = jnp.take_along_axis(logits_flat, labels_flat[:, None].astype(jnp.int32), axis=1)[:, 0]
    cls_loss = jnp.mean(logz - ll)
    batch_candidates_predict = jnp.argmax(logits, axis=2)  # (B, C)
    # fill_candidates_prob: scatter candidate logits back onto full anchor grid
    def _fill(idx, lg):
        return jnp.zeros((S * A, K), dtype=jnp.float32).at[idx].set(lg)
    full_batch_prob = jax.vmap(_fill)(candidates_idx, logits).reshape(B, S, A, K)
    predict_label = jnp.argmax(full_batch_prob, axis=3)  # (B, S, A)
    return (cls_loss, predict_label, cand_repr, candidate_label,
            batch_candidates_predict, candidate_mask)

if __name__ == "__main__":
    import jax
    _d = setup_inputs()
    print(jax.jit(kernel)(*tuple(_d.values())))

</pallas_src>

<mosaic_0001>
#map = affine_map<(d0, d1) -> (0, 0)>
module attributes {stable_mosaic.version = 14 : i64} {
  func.func @_predict_body(%arg0: i32, %arg1: i32, %arg2: memref<16x1024xi32, #tpu.memory_space<hbm>>, %arg3: memref<16x1024xi32, #tpu.memory_space<hbm>>, %arg4: memref<16x4096xi32, #tpu.memory_space<hbm>>, %arg5: memref<16x1024xf32, #tpu.memory_space<hbm>>, %arg6: memref<1040xi32, #tpu.memory_space<vmem>>, %arg7: memref<1024xi32, #tpu.memory_space<vmem>>, %arg8: memref<4096xi32, #tpu.memory_space<vmem>>, %arg9: memref<1024xf32, #tpu.memory_space<vmem>>) attributes {dimension_semantics = [#tpu.dimension_semantics<core_parallel>, #tpu.dimension_semantics<subcore_parallel>], iteration_bounds = array<i64: 2, 16>, scalar_prefetch = 0 : i64, scratch_operands = 4 : i64, tpu.core_type = #tpu.core_type<sc_vector_subcore>, window_params = [{transform_indices = #map}, {transform_indices = #map}, {transform_indices = #map}, {transform_indices = #map}]} {
    %mul3A = arith.constant 2 : i32
    %mul3A_0 = arith.muli %arg1, %mul3A : i32
    %add3A = arith.addi %mul3A_0, %arg0 : i32
    %lt3A = arith.constant 16 : i32
    %lt3A_1 = arith.cmpi slt, %add3A, %lt3A : i32
    %convert_element_type3A = arith.extui %lt3A_1 : i1 to i32
    %cond3A = arith.constant 0 : i32
    %cond3A_2 = arith.cmpi ne, %convert_element_type3A, %cond3A : i32
    scf.if %cond3A_2 {
      "tpu.region"() ({
        %run_scoped3A = tpu.sem_alloc : memref<!tpu.dma_semaphore, #tpu.memory_space<semaphore_mem>>
        %dma_start3A = arith.constant 0 : i32
        %dma_start3A_15 = tpu.memref_slice %arg6[%dma_start3A] : memref<1040xi32, #tpu.memory_space<vmem>> -> memref<1024xi32, #tpu.memory_space<vmem>>
        %dma_start3A_16 = arith.constant 0 : i32
        %dma_start3A_17 = tpu.memref_slice %arg2[%add3A, %dma_start3A_16] : memref<16x1024xi32, #tpu.memory_space<hbm>> -> memref<1x1024xi32, #tpu.memory_space<hbm>>
        %dma_start3A_18 = tpu.memref_squeeze %dma_start3A_17 : memref<1x1024xi32, #tpu.memory_space<hbm>> -> memref<1024xi32, #tpu.memory_space<hbm>>
        %dma_start3A_19 = arith.constant 0 : i32
        %dma_start3A_20 = tpu.memref_slice %arg6[%dma_start3A_19] : memref<1040xi32, #tpu.memory_space<vmem>> -> memref<1024xi32, #tpu.memory_space<vmem>>
        %dma_start3A_21 = arith.constant 0 : i32
        %dma_start3A_22 = tpu.memref_slice %arg2[%add3A, %dma_start3A_21] : memref<16x1024xi32, #tpu.memory_space<hbm>> -> memref<1x1024xi32, #tpu.memory_space<hbm>>
        %dma_start3A_23 = tpu.memref_squeeze %dma_start3A_22 : memref<1x1024xi32, #tpu.memory_space<hbm>> -> memref<1024xi32, #tpu.memory_space<hbm>>
        tpu.enqueue_dma source(%dma_start3A_23 : memref<1024xi32, #tpu.memory_space<hbm>>) target(%dma_start3A_20 : memref<1024xi32, #tpu.memory_space<vmem>>) target_semaphore(%run_scoped3A : memref<!tpu.dma_semaphore, #tpu.memory_space<semaphore_mem>>)
        %dma_wait3A = arith.constant 0 : i32
        %dma_wait3A_24 = tpu.memref_slice %arg6[%dma_wait3A] : memref<1040xi32, #tpu.memory_space<vmem>> -> memref<1024xi32, #tpu.memory_space<vmem>>
        %dma_wait3A_25 = arith.constant 0 : i32
        %dma_wait3A_26 = tpu.memref_slice %arg2[%add3A, %dma_wait3A_25] : memref<16x1024xi32, #tpu.memory_space<hbm>> -> memref<1x1024xi32, #tpu.memory_space<hbm>>
        %dma_wait3A_27 = tpu.memref_squeeze %dma_wait3A_26 : memref<1x1024xi32, #tpu.memory_space<hbm>> -> memref<1024xi32, #tpu.memory_space<hbm>>
        %dma_wait3A_28 = arith.constant 0 : i32
        %dma_wait3A_29 = tpu.memref_slice %arg6[%dma_wait3A_28] : memref<1040xi32, #tpu.memory_space<vmem>> -> memref<1024xi32, #tpu.memory_space<vmem>>
        %dma_wait3A_30 = arith.constant 0 : i32
        %dma_wait3A_31 = tpu.memref_slice %arg2[%add3A, %dma_wait3A_30] : memref<16x1024xi32, #tpu.memory_space<hbm>> -> memref<1x1024xi32, #tpu.memory_space<hbm>>
        %dma_wait3A_32 = tpu.memref_squeeze %dma_wait3A_31 : memref<1x1024xi32, #tpu.memory_space<hbm>> -> memref<1024xi32, #tpu.memory_space<hbm>>
        tpu.wait_dma2 semaphore(%run_scoped3A : memref<!tpu.dma_semaphore, #tpu.memory_space<semaphore_mem>>) src(%dma_wait3A_32 : memref<1024xi32, #tpu.memory_space<hbm>>) dst(%dma_wait3A_29 : memref<1024xi32, #tpu.memory_space<vmem>>)
        tpu.yield
      }) : () -> ()
      "tpu.region"() ({
        %run_scoped3A = tpu.sem_alloc : memref<!tpu.dma_semaphore, #tpu.memory_space<semaphore_mem>>
        %dma_start3A = arith.constant 0 : i32
        %dma_start3A_15 = tpu.memref_slice %arg3[%add3A, %dma_start3A] : memref<16x1024xi32, #tpu.memory_space<hbm>> -> memref<1x1024xi32, #tpu.memory_space<hbm>>
        %dma_start3A_16 = tpu.memref_squeeze %dma_start3A_15 : memref<1x1024xi32, #tpu.memory_space<hbm>> -> memref<1024xi32, #tpu.memory_space<hbm>>
        %dma_start3A_17 = arith.constant 0 : i32
        %dma_start3A_18 = tpu.memref_slice %arg3[%add3A, %dma_start3A_17] : memref<16x1024xi32, #tpu.memory_space<hbm>> -> memref<1x1024xi32, #tpu.memory_space<hbm>>
        %dma_start3A_19 = tpu.memref_squeeze %dma_start3A_18 : memref<1x1024xi32, #tpu.memory_space<hbm>> -> memref<1024xi32, #tpu.memory_space<hbm>>
        tpu.enqueue_dma source(%dma_start3A_19 : memref<1024xi32, #tpu.memory_space<hbm>>) target(%arg7 : memref<1024xi32, #tpu.memory_space<vmem>>) target_semaphore(%run_scoped3A : memref<!tpu.dma_semaphore, #tpu.memory_space<semaphore_mem>>)
        %dma_wait3A = arith.constant 0 : i32
        %dma_wait3A_20 = tpu.memref_slice %arg3[%add3A, %dma_wait3A] : memref<16x1024xi32, #tpu.memory_space<hbm>> -> memref<1x1024xi32, #tpu.memory_space<hbm>>
        %dma_wait3A_21 = tpu.memref_squeeze %dma_wait3A_20 : memref<1x1024xi32, #tpu.memory_space<hbm>> -> memref<1024xi32, #tpu.memory_space<hbm>>
        %dma_wait3A_22 = arith.constant 0 : i32
        %dma_wait3A_23 = tpu.memref_slice %arg3[%add3A, %dma_wait3A_22] : memref<16x1024xi32, #tpu.memory_space<hbm>> -> memref<1x1024xi32, #tpu.memory_space<hbm>>
        %dma_wait3A_24 = tpu.memref_squeeze %dma_wait3A_23 : memref<1x1024xi32, #tpu.memory_space<hbm>> -> memref<1024xi32, #tpu.memory_space<hbm>>
        tpu.wait_dma2 semaphore(%run_scoped3A : memref<!tpu.dma_semaphore, #tpu.memory_space<semaphore_mem>>) src(%dma_wait3A_24 : memref<1024xi32, #tpu.memory_space<hbm>>) dst(%arg7 : memref<1024xi32, #tpu.memory_space<vmem>>)
        tpu.yield
      }) : () -> ()
      %broadcast_in_dim3A = arith.constant 0 : i32
      %broadcast_in_dim3A_3 = vector.broadcast %broadcast_in_dim3A : i32 to vector<16xi32>
      %scan3A = arith.constant 0 : i32
      %scan3A_4 = arith.constant 0 : i32
      %scan3A_5 = arith.constant 256 : i32
      %scan3A_6 = arith.addi %scan3A_4, %scan3A_5 : i32
      %scan3A_7 = arith.constant 1 : i32
      scf.for %scan3A_15 = %scan3A_4 to %scan3A_6 step %scan3A_7  : i32 {
        %mul3A_16 = arith.constant 16 : i32
        %mul3A_17 = arith.muli %scan3A_15, %mul3A_16 : i32
        %swap3A = arith.index_cast %mul3A_17 : i32 to index
        %swap3A_18 = tpu.vector_load %arg8[%swap3A] {strides = array<i32>} : memref<4096xi32, #tpu.memory_space<vmem>>, vector<16xi32>,
        tpu.vector_store %arg8[%swap3A], %broadcast_in_dim3A_3 {strides = array<i32>} : memref<4096xi32, #tpu.memory_space<vmem>>, vector<16xi32>,
      }
      %scan3A_8 = arith.constant 256 : i32
      %iota3A = tpu.iota {dimensions = array<i32: 0>} : vector<16xi32>
      %scan3A_9 = arith.constant 0 : i32
      %scan3A_10 = arith.constant 0 : i32
      %scan3A_11 = arith.constant 64 : i32
      %scan3A_12 = arith.addi %scan3A_10, %scan3A_11 : i32
      %scan3A_13 = arith.constant 1 : i32
      scf.for %scan3A_15 = %scan3A_10 to %scan3A_12 step %scan3A_13  : i32 {
        %mul3A_16 = arith.constant 16 : i32
        %mul3A_17 = arith.muli %scan3A_15, %mul3A_16 : i32
        %get3A = arith.index_cast %mul3A_17 : i32 to index
        %get3A_18 = tpu.vector_load %arg6[%get3A] {strides = array<i32>} : memref<1040xi32, #tpu.memory_space<vmem>>, vector<16xi32>,
        %get3A_19 = arith.index_cast %mul3A_17 : i32 to index
        %get3A_20 = tpu.vector_load %arg7[%get3A_19] {strides = array<i32>} : memref<1024xi32, #tpu.memory_space<vmem>>, vector<16xi32>,
        %ne3A = arith.constant 0 : i32
        %ne3A_21 = vector.broadcast %ne3A : i32 to vector<16xi32>
        %ne3A_22 = arith.cmpi ne, %get3A_18, %ne3A_21 : vector<16xi32>
        %jit3A = arith.constant 1.000000e+00 : f32
        %jit3A_23 = arith.constant 0.000000e+00 : f32
        %broadcast_in_dim3A_24 = vector.broadcast %jit3A : f32 to vector<16xf32>
        %broadcast_in_dim3A_25 = vector.broadcast %jit3A_23 : f32 to vector<16xf32>
        %select_n3A = arith.select %ne3A_22, %broadcast_in_dim3A_24, %broadcast_in_dim3A_25 : vector<16xi1>, vector<16xf32>
        %swap3A = arith.index_cast %mul3A_17 : i32 to index
        %swap3A_26 = tpu.vector_load %arg9[%swap3A] {strides = array<i32>} : memref<1024xf32, #tpu.memory_space<vmem>>, vector<16xf32>,
        tpu.vector_store %arg9[%swap3A], %select_n3A {strides = array<i32>} : memref<1024xf32, #tpu.memory_space<vmem>>, vector<16xf32>,
        %broadcast_in_dim3A_27 = arith.constant true
        %broadcast_in_dim3A_28 = vector.broadcast %broadcast_in_dim3A_27 : i1 to vector<16xi1>
        %add3A_29 = arith.constant 1 : i32
        %add3A_30 = arith.addi %mul3A_17, %add3A_29 : i32
        %get3A_31 = arith.index_cast %add3A_30 : i32 to index
        %get3A_32 = tpu.vector_load %arg6[%get3A_31] {strides = array<i32>} : memref<1040xi32, #tpu.memory_space<vmem>>, vector<16xi32>,
        %eq3A = arith.cmpi eq, %get3A_18, %get3A_32 : vector<16xi32>
        %lt3A_33 = arith.constant 15 : i32
        %lt3A_34 = vector.broadcast %lt3A_33 : i32 to vector<16xi32>
        %lt3A_35 = arith.cmpi slt, %iota3A, %lt3A_34 : vector<16xi32>
        %and3A = arith.andi %eq3A, %lt3A_35 : vector<16xi1>
        %not3A = arith.constant dense<true> : vector<16xi1>
        %not3A_36 = arith.xori %and3A, %not3A : vector<16xi1>
        %and3A_37 = arith.andi %broadcast_in_dim3A_28, %not3A_36 : vector<16xi1>
        %add3A_38 = arith.constant 2 : i32
        %add3A_39 = arith.addi %mul3A_17, %add3A_38 : i32
        %get3A_40 = arith.index_cast %add3A_39 : i32 to index
        %get3A_41 = tpu.vector_load %arg6[%get3A_40] {strides = array<i32>} : memref<1040xi32, #tpu.memory_space<vmem>>, vector<16xi32>,
        %eq3A_42 = arith.cmpi eq, %get3A_18, %get3A_41 : vector<16xi32>
        %lt3A_43 = arith.constant 14 : i32
        %lt3A_44 = vector.broadcast %lt3A_43 : i32 to vector<16xi32>
        %lt3A_45 = arith.cmpi slt, %iota3A, %lt3A_44 : vector<16xi32>
        %and3A_46 = arith.andi %eq3A_42, %lt3A_45 : vector<16xi1>
        %not3A_47 = arith.constant dense<true> : vector<16xi1>
        %not3A_48 = arith.xori %and3A_46, %not3A_47 : vector<16xi1>
        %and3A_49 = arith.andi %and3A_37, %not3A_48 : vector<16xi1>
        %add3A_50 = arith.constant 3 : i32
        %add3A_51 = arith.addi %mul3A_17, %add3A_50 : i32
        %get3A_52 = arith.index_cast %add3A_51 : i32 to index
        %get3A_53 = tpu.vector_load %arg6[%get3A_52] {strides = array<i32>} : memref<1040xi32, #tpu.memory_space<vmem>>, vector<16xi32>,
        %eq3A_54 = arith.cmpi eq, %get3A_18, %get3A_53 : vector<16xi32>
        %lt3A_55 = arith.constant 13 : i32
        %lt3A_56 = vector.broadcast %lt3A_55 : i32 to vector<16xi32>
        %lt3A_57 = arith.cmpi slt, %iota3A, %lt3A_56 : vector<16xi32>
        %and3A_58 = arith.andi %eq3A_54, %lt3A_57 : vector<16xi1>
        %not3A_59 = arith.constant dense<true> : vector<16xi1>
        %not3A_60 = arith.xori %and3A_58, %not3A_59 : vector<16xi1>
        %and3A_61 = arith.andi %and3A_49, %not3A_60 : vector<16xi1>
        %add3A_62 = arith.constant 4 : i32
        %add3A_63 = arith.addi %mul3A_17, %add3A_62 : i32
        %get3A_64 = arith.index_cast %add3A_63 : i32 to index
        %get3A_65 = tpu.vector_load %arg6[%get3A_64] {strides = array<i32>} : memref<1040xi32, #tpu.memory_space<vmem>>, vector<16xi32>,
        %eq3A_66 = arith.cmpi eq, %get3A_18, %get3A_65 : vector<16xi32>
        %lt3A_67 = arith.constant 12 : i32
        %lt3A_68 = vector.broadcast %lt3A_67 : i32 to vector<16xi32>
        %lt3A_69 = arith.cmpi slt, %iota3A, %lt3A_68 : vector<16xi32>
        %and3A_70 = arith.andi %eq3A_66, %lt3A_69 : vector<16xi1>
        %not3A_71 = arith.constant dense<true> : vector<16xi1>
        %not3A_72 = arith.xori %and3A_70, %not3A_71 : vector<16xi1>
        %and3A_73 = arith.andi %and3A_61, %not3A_72 : vector<16xi1>
        %add3A_74 = arith.constant 5 : i32
        %add3A_75 = arith.addi %mul3A_17, %add3A_74 : i32
        %get3A_76 = arith.index_cast %add3A_75 : i32 to index
        %get3A_77 = tpu.vector_load %arg6[%get3A_76] {strides = array<i32>} : memref<1040xi32, #tpu.memory_space<vmem>>, vector<16xi32>,
        %eq3A_78 = arith.cmpi eq, %get3A_18, %get3A_77 : vector<16xi32>
        %lt3A_79 = arith.constant 11 : i32
        %lt3A_80 = vector.broadcast %lt3A_79 : i32 to vector<16xi32>
        %lt3A_81 = arith.cmpi slt, %iota3A, %lt3A_80 : vector<16xi32>
        %and3A_82 = arith.andi %eq3A_78, %lt3A_81 : vector<16xi1>
        %not3A_83 = arith.constant dense<true> : vector<16xi1>
        %not3A_84 = arith.xori %and3A_82, %not3A_83 : vector<16xi1>
        %and3A_85 = arith.andi %and3A_73, %not3A_84 : vector<16xi1>
        %add3A_86 = arith.constant 6 : i32
        %add3A_87 = arith.addi %mul3A_17, %add3A_86 : i32
        %get3A_88 = arith.index_cast %add3A_87 : i32 to index
        %get3A_89 = tpu.vector_load %arg6[%get3A_88] {strides = array<i32>} : memref<1040xi32, #tpu.memory_space<vmem>>, vector<16xi32>,
        %eq3A_90 = arith.cmpi eq, %get3A_18, %get3A_89 : vector<16xi32>
        %lt3A_91 = arith.constant 10 : i32
        %lt3A_92 = vector.broadcast %lt3A_91 : i32 to vector<16xi32>
        %lt3A_93 = arith.cmpi slt, %iota3A, %lt3A_92 : vector<16xi32>
        %and3A_94 = arith.andi %eq3A_90, %lt3A_93 : vector<16xi1>
        %not3A_95 = arith.constant dense<true> : vector<16xi1>
        %not3A_96 = arith.xori %and3A_94, %not3A_95 : vector<16xi1>
        %and3A_97 = arith.andi %and3A_85, %not3A_96 : vector<16xi1>
        %add3A_98 = arith.constant 7 : i32
        %add3A_99 = arith.addi %mul3A_17, %add3A_98 : i32
        %get3A_100 = arith.index_cast %add3A_99 : i32 to index
        %get3A_101 = tpu.vector_load %arg6[%get3A_100] {strides = array<i32>} : memref<1040xi32, #tpu.memory_space<vmem>>, vector<16xi32>,
        %eq3A_102 = arith.cmpi eq, %get3A_18, %get3A_101 : vector<16xi32>
        %lt3A_103 = arith.constant 9 : i32
        %lt3A_104 = vector.broadcast %lt3A_103 : i32 to vector<16xi32>
        %lt3A_105 = arith.cmpi slt, %iota3A, %lt3A_104 : vector<16xi32>
        %and3A_106 = arith.andi %eq3A_102, %lt3A_105 : vector<16xi1>
        %not3A_107 = arith.constant dense<true> : vector<16xi1>
        %not3A_108 = arith.xori %and3A_106, %not3A_107 : vector<16xi1>
        %and3A_109 = arith.andi %and3A_97, %not3A_108 : vector<16xi1>
        %add3A_110 = arith.constant 8 : i32
        %add3A_111 = arith.addi %mul3A_17, %add3A_110 : i32
        %get3A_112 = arith.index_cast %add3A_111 : i32 to index
        %get3A_113 = tpu.vector_load %arg6[%get3A_112] {strides = array<i32>} : memref<1040xi32, #tpu.memory_space<vmem>>, vector<16xi32>,
        %eq3A_114 = arith.cmpi eq, %get3A_18, %get3A_113 : vector<16xi32>
        %lt3A_115 = arith.constant 8 : i32
        %lt3A_116 = vector.broadcast %lt3A_115 : i32 to vector<16xi32>
        %lt3A_117 = arith.cmpi slt, %iota3A, %lt3A_116 : vector<16xi32>
        %and3A_118 = arith.andi %eq3A_114, %lt3A_117 : vector<16xi1>
        %not3A_119 = arith.constant dense<true> : vector<16xi1>
        %not3A_120 = arith.xori %and3A_118, %not3A_119 : vector<16xi1>
        %and3A_121 = arith.andi %and3A_109, %not3A_120 : vector<16xi1>
        %add3A_122 = arith.constant 9 : i32
        %add3A_123 = arith.addi %mul3A_17, %add3A_122 : i32
        %get3A_124 = arith.index_cast %add3A_123 : i32 to index
        %get3A_125 = tpu.vector_load %arg6[%get3A_124] {strides = array<i32>} : memref<1040xi32, #tpu.memory_space<vmem>>, vector<16xi32>,
        %eq3A_126 = arith.cmpi eq, %get3A_18, %get3A_125 : vector<16xi32>
        %lt3A_127 = arith.constant 7 : i32
        %lt3A_128 = vector.broadcast %lt3A_127 : i32 to vector<16xi32>
        %lt3A_129 = arith.cmpi slt, %iota3A, %lt3A_128 : vector<16xi32>
        %and3A_130 = arith.andi %eq3A_126, %lt3A_129 : vector<16xi1>
        %not3A_131 = arith.constant dense<true> : vector<16xi1>
        %not3A_132 = arith.xori %and3A_130, %not3A_131 : vector<16xi1>
        %and3A_133 = arith.andi %and3A_121, %not3A_132 : vector<16xi1>
        %add3A_134 = arith.constant 10 : i32
        %add3A_135 = arith.addi %mul3A_17, %add3A_134 : i32
        %get3A_136 = arith.index_cast %add3A_135 : i32 to index
        %get3A_137 = tpu.vector_load %arg6[%get3A_136] {strides = array<i32>} : memref<1040xi32, #tpu.memory_space<vmem>>, vector<16xi32>,
        %eq3A_138 = arith.cmpi eq, %get3A_18, %get3A_137 : vector<16xi32>
        %lt3A_139 = arith.constant 6 : i32
        %lt3A_140 = vector.broadcast %lt3A_139 : i32 to vector<16xi32>
        %lt3A_141 = arith.cmpi slt, %iota3A, %lt3A_140 : vector<16xi32>
        %and3A_142 = arith.andi %eq3A_138, %lt3A_141 : vector<16xi1>
        %not3A_143 = arith.constant dense<true> : vector<16xi1>
        %not3A_144 = arith.xori %and3A_142, %not3A_143 : vector<16xi1>
        %and3A_145 = arith.andi %and3A_133, %not3A_144 : vector<16xi1>
        %add3A_146 = arith.constant 11 : i32
        %add3A_147 = arith.addi %mul3A_17, %add3A_146 : i32
        %get3A_148 = arith.index_cast %add3A_147 : i32 to index
        %get3A_149 = tpu.vector_load %arg6[%get3A_148] {strides = array<i32>} : memref<1040xi32, #tpu.memory_space<vmem>>, vector<16xi32>,
        %eq3A_150 = arith.cmpi eq, %get3A_18, %get3A_149 : vector<16xi32>
        %lt3A_151 = arith.constant 5 : i32
        %lt3A_152 = vector.broadcast %lt3A_151 : i32 to vector<16xi32>
        %lt3A_153 = arith.cmpi slt, %iota3A, %lt3A_152 : vector<16xi32>
        %and3A_154 = arith.andi %eq3A_150, %lt3A_153 : vector<16xi1>
        %not3A_155 = arith.constant dense<true> : vector<16xi1>
        %not3A_156 = arith.xori %and3A_154, %not3A_155 : vector<16xi1>
        %and3A_157 = arith.andi %and3A_145, %not3A_156 : vector<16xi1>
        %add3A_158 = arith.constant 12 : i32
        %add3A_159 = arith.addi %mul3A_17, %add3A_158 : i32
        %get3A_160 = arith.index_cast %add3A_159 : i32 to index
        %get3A_161 = tpu.vector_load %arg6[%get3A_160] {strides = array<i32>} : memref<1040xi32, #tpu.memory_space<vmem>>, vector<16xi32>,
        %eq3A_162 = arith.cmpi eq, %get3A_18, %get3A_161 : vector<16xi32>
        %lt3A_163 = arith.constant 4 : i32
        %lt3A_164 = vector.broadcast %lt3A_163 : i32 to vector<16xi32>
        %lt3A_165 = arith.cmpi slt, %iota3A, %lt3A_164 : vector<16xi32>
        %and3A_166 = arith.andi %eq3A_162, %lt3A_165 : vector<16xi1>
        %not3A_167 = arith.constant dense<true> : vector<16xi1>
        %not3A_168 = arith.xori %and3A_166, %not3A_167 : vector<16xi1>
        %and3A_169 = arith.andi %and3A_157, %not3A_168 : vector<16xi1>
        %add3A_170 = arith.constant 13 : i32
        %add3A_171 = arith.addi %mul3A_17, %add3A_170 : i32
        %get3A_172 = arith.index_cast %add3A_171 : i32 to index
        %get3A_173 = tpu.vector_load %arg6[%get3A_172] {strides = array<i32>} : memref<1040xi32, #tpu.memory_space<vmem>>, vector<16xi32>,
        %eq3A_174 = arith.cmpi eq, %get3A_18, %get3A_173 : vector<16xi32>
        %lt3A_175 = arith.constant 3 : i32
        %lt3A_176 = vector.broadcast %lt3A_175 : i32 to vector<16xi32>
        %lt3A_177 = arith.cmpi slt, %iota3A, %lt3A_176 : vector<16xi32>
        %and3A_178 = arith.andi %eq3A_174, %lt3A_177 : vector<16xi1>
        %not3A_179 = arith.constant dense<true> : vector<16xi1>
        %not3A_180 = arith.xori %and3A_178, %not3A_179 : vector<16xi1>
        %and3A_181 = arith.andi %and3A_169, %not3A_180 : vector<16xi1>
        %add3A_182 = arith.constant 14 : i32
        %add3A_183 = arith.addi %mul3A_17, %add3A_182 : i32
        %get3A_184 = arith.index_cast %add3A_183 : i32 to index
        %get3A_185 = tpu.vector_load %arg6[%get3A_184] {strides = array<i32>} : memref<1040xi32, #tpu.memory_space<vmem>>, vector<16xi32>,
        %eq3A_186 = arith.cmpi eq, %get3A_18, %get3A_185 : vector<16xi32>
        %lt3A_187 = arith.constant 2 : i32
        %lt3A_188 = vector.broadcast %lt3A_187 : i32 to vector<16xi32>
        %lt3A_189 = arith.cmpi slt, %iota3A, %lt3A_188 : vector<16xi32>
        %and3A_190 = arith.andi %eq3A_186, %lt3A_189 : vector<16xi1>
        %not3A_191 = arith.constant dense<true> : vector<16xi1>
        %not3A_192 = arith.xori %and3A_190, %not3A_191 : vector<16xi1>
        %and3A_193 = arith.andi %and3A_181, %not3A_192 : vector<16xi1>
        %add3A_194 = arith.constant 15 : i32
        %add3A_195 = arith.addi %mul3A_17, %add3A_194 : i32
        %get3A_196 = arith.index_cast %add3A_195 : i32 to index
        %get3A_197 = tpu.vector_load %arg6[%get3A_196] {strides = array<i32>} : memref<1040xi32, #tpu.memory_space<vmem>>, vector<16xi32>,
        %eq3A_198 = arith.cmpi eq, %get3A_18, %get3A_197 : vector<16xi32>
        %lt3A_199 = arith.constant 1 : i32
        %lt3A_200 = vector.broadcast %lt3A_199 : i32 to vector<16xi32>
        %lt3A_201 = arith.cmpi slt, %iota3A, %lt3A_200 : vector<16xi32>
        %and3A_202 = arith.andi %eq3A_198, %lt3A_201 : vector<16xi1>
        %not3A_203 = arith.constant dense<true> : vector<16xi1>
        %not3A_204 = arith.xori %and3A_202, %not3A_203 : vector<16xi1>
        %and3A_205 = arith.andi %and3A_193, %not3A_204 : vector<16xi1>
        tpu.vector_store_idx %arg8[%get3A_18], %get3A_20 masked %and3A_205 : memref<4096xi32, #tpu.memory_space<vmem>>[vector<16xi32>], vector<16xi32>, vector<16xi1>
      }
      %scan3A_14 = arith.constant 64 : i32
      "tpu.region"() ({
        %run_scoped3A = tpu.sem_alloc : memref<!tpu.dma_semaphore, #tpu.memory_space<semaphore_mem>>
        %dma_start3A = arith.constant 0 : i32
        %dma_start3A_15 = tpu.memref_slice %arg4[%add3A, %dma_start3A] : memref<16x4096xi32, #tpu.memory_space<hbm>> -> memref<1x4096xi32, #tpu.memory_space<hbm>>
        %dma_start3A_16 = tpu.memref_squeeze %dma_start3A_15 : memref<1x4096xi32, #tpu.memory_space<hbm>> -> memref<4096xi32, #tpu.memory_space<hbm>>
        %dma_start3A_17 = arith.constant 0 : i32
        %dma_start3A_18 = tpu.memref_slice %arg4[%add3A, %dma_start3A_17] : memref<16x4096xi32, #tpu.memory_space<hbm>> -> memref<1x4096xi32, #tpu.memory_space<hbm>>
        %dma_start3A_19 = tpu.memref_squeeze %dma_start3A_18 : memref<1x4096xi32, #tpu.memory_space<hbm>> -> memref<4096xi32, #tpu.memory_space<hbm>>
        tpu.enqueue_dma source(%arg8 : memref<4096xi32, #tpu.memory_space<vmem>>) target(%dma_start3A_19 : memref<4096xi32, #tpu.memory_space<hbm>>) target_semaphore(%run_scoped3A : memref<!tpu.dma_semaphore, #tpu.memory_space<semaphore_mem>>)
        %dma_wait3A = arith.constant 0 : i32
        %dma_wait3A_20 = tpu.memref_slice %arg4[%add3A, %dma_wait3A] : memref<16x4096xi32, #tpu.memory_space<hbm>> -> memref<1x4096xi32, #tpu.memory_space<hbm>>
        %dma_wait3A_21 = tpu.memref_squeeze %dma_wait3A_20 : memref<1x4096xi32, #tpu.memory_space<hbm>> -> memref<4096xi32, #tpu.memory_space<hbm>>
        %dma_wait3A_22 = arith.constant 0 : i32
        %dma_wait3A_23 = tpu.memref_slice %arg4[%add3A, %dma_wait3A_22] : memref<16x4096xi32, #tpu.memory_space<hbm>> -> memref<1x4096xi32, #tpu.memory_space<hbm>>
        %dma_wait3A_24 = tpu.memref_squeeze %dma_wait3A_23 : memref<1x4096xi32, #tpu.memory_space<hbm>> -> memref<4096xi32, #tpu.memory_space<hbm>>
        tpu.wait_dma2 semaphore(%run_scoped3A : memref<!tpu.dma_semaphore, #tpu.memory_space<semaphore_mem>>) src(%arg8 : memref<4096xi32, #tpu.memory_space<vmem>>) dst(%dma_wait3A_24 : memref<4096xi32, #tpu.memory_space<hbm>>)
        tpu.yield
      }) : () -> ()
      "tpu.region"() ({
        %run_scoped3A = tpu.sem_alloc : memref<!tpu.dma_semaphore, #tpu.memory_space<semaphore_mem>>
        %dma_start3A = arith.constant 0 : i32
        %dma_start3A_15 = tpu.memref_slice %arg5[%add3A, %dma_start3A] : memref<16x1024xf32, #tpu.memory_space<hbm>> -> memref<1x1024xf32, #tpu.memory_space<hbm>>
        %dma_start3A_16 = tpu.memref_squeeze %dma_start3A_15 : memref<1x1024xf32, #tpu.memory_space<hbm>> -> memref<1024xf32, #tpu.memory_space<hbm>>
        %dma_start3A_17 = arith.constant 0 : i32
        %dma_start3A_18 = tpu.memref_slice %arg5[%add3A, %dma_start3A_17] : memref<16x1024xf32, #tpu.memory_space<hbm>> -> memref<1x1024xf32, #tpu.memory_space<hbm>>
        %dma_start3A_19 = tpu.memref_squeeze %dma_start3A_18 : memref<1x1024xf32, #tpu.memory_space<hbm>> -> memref<1024xf32, #tpu.memory_space<hbm>>
        tpu.enqueue_dma source(%arg9 : memref<1024xf32, #tpu.memory_space<vmem>>) target(%dma_start3A_19 : memref<1024xf32, #tpu.memory_space<hbm>>) target_semaphore(%run_scoped3A : memref<!tpu.dma_semaphore, #tpu.memory_space<semaphore_mem>>)
        %dma_wait3A = arith.constant 0 : i32
        %dma_wait3A_20 = tpu.memref_slice %arg5[%add3A, %dma_wait3A] : memref<16x1024xf32, #tpu.memory_space<hbm>> -> memref<1x1024xf32, #tpu.memory_space<hbm>>
        %dma_wait3A_21 = tpu.memref_squeeze %dma_wait3A_20 : memref<1x1024xf32, #tpu.memory_space<hbm>> -> memref<1024xf32, #tpu.memory_space<hbm>>
        %dma_wait3A_22 = arith.constant 0 : i32
        %dma_wait3A_23 = tpu.memref_slice %arg5[%add3A, %dma_wait3A_22] : memref<16x1024xf32, #tpu.memory_space<hbm>> -> memref<1x1024xf32, #tpu.memory_space<hbm>>
        %dma_wait3A_24 = tpu.memref_squeeze %dma_wait3A_23 : memref<1x1024xf32, #tpu.memory_space<hbm>> -> memref<1024xf32, #tpu.memory_space<hbm>>
        tpu.wait_dma2 semaphore(%run_scoped3A : memref<!tpu.dma_semaphore, #tpu.memory_space<semaphore_mem>>) src(%arg9 : memref<1024xf32, #tpu.memory_space<vmem>>) dst(%dma_wait3A_24 : memref<1024xf32, #tpu.memory_space<hbm>>)
        tpu.yield
      }) : () -> ()
    } else {
    }
    return
  }
}

#map = affine_map<(d0, d1) -> (0, 0)>
#map1 = affine_map<(d0, d1) -> (0)>
module attributes {stable_mosaic.version = 14 : i64} {
  func.func @_gather_body(%arg0: i32, %arg1: i32, %arg2: memref<65536x512xf32, #tpu.memory_space<hbm>>, %arg3: memref<16384xi32, #tpu.memory_space<hbm>>, %arg4: memref<16384x512xf32, #tpu.memory_space<hbm>>, %arg5: memref<512xi32, #tpu.memory_space<vmem>>, %arg6: memref<64x512xf32, #tpu.memory_space<vmem>>, %arg7: memref<64x512xf32, #tpu.memory_space<vmem>>, %arg8: memref<!tpu.dma_semaphore, #tpu.memory_space<semaphore_mem>>, %arg9: memref<!tpu.dma_semaphore, #tpu.memory_space<semaphore_mem>>) attributes {dimension_semantics = [#tpu.dimension_semantics<core_parallel>, #tpu.dimension_semantics<subcore_parallel>], iteration_bounds = array<i64: 2, 16>, scalar_prefetch = 0 : i64, scratch_operands = 5 : i64, tpu.core_type = #tpu.core_type<sc_vector_subcore>, window_params = [{transform_indices = #map}, {transform_indices = #map1}, {transform_indices = #map}]} {
    %mul3A = arith.constant 2 : i32
    %mul3A_0 = arith.muli %arg1, %mul3A : i32
    %add3A = arith.addi %mul3A_0, %arg0 : i32
    %mul3A_1 = arith.constant 512 : i32
    %mul3A_2 = arith.muli %add3A, %mul3A_1 : i32
    %jit3A = arith.constant 2 : i32
    %div3A = arith.divsi %add3A, %jit3A : i32
    %sign3A = arith.constant 0 : i32
    %sign3A_3 = arith.cmpi sgt, %add3A, %sign3A : i32
    %sign3A_4 = arith.extui %sign3A_3 : i1 to i32
    %sign3A_5 = arith.constant 0 : i32
    %sign3A_6 = arith.cmpi slt, %add3A, %sign3A_5 : i32
    %sign3A_7 = arith.extui %sign3A_6 : i1 to i32
    %sign3A_8 = arith.subi %sign3A_4, %sign3A_7 : i32
    %sign3A_9 = arith.constant 0 : i32
    %sign3A_10 = arith.cmpi sgt, %jit3A, %sign3A_9 : i32
    %sign3A_11 = arith.extui %sign3A_10 : i1 to i32
    %sign3A_12 = arith.constant 0 : i32
    %sign3A_13 = arith.cmpi slt, %jit3A, %sign3A_12 : i32
    %sign3A_14 = arith.extui %sign3A_13 : i1 to i32
    %sign3A_15 = arith.subi %sign3A_11, %sign3A_14 : i32
    %ne3A = arith.cmpi ne, %sign3A_8, %sign3A_15 : i32
    %rem3A = arith.remsi %add3A, %jit3A : i32
    %ne3A_16 = arith.constant 0 : i32
    %ne3A_17 = arith.cmpi ne, %rem3A, %ne3A_16 : i32
    %and3A = arith.andi %ne3A, %ne3A_17 : i1
    %sub3A = arith.constant 1 : i32
    %sub3A_18 = arith.subi %div3A, %sub3A : i32
    %select_n3A = arith.select %and3A, %sub3A_18, %div3A : i32
    %add3A_19 = arith.constant 0 : i32
    %add3A_20 = arith.addi %add3A_19, %select_n3A : i32
    %mul3A_21 = arith.constant 4096 : i32
    %mul3A_22 = arith.muli %add3A_20, %mul3A_21 : i32
    "tpu.region"() ({
      %run_scoped3A = tpu.sem_alloc : memref<!tpu.dma_semaphore, #tpu.memory_space<semaphore_mem>>
      %dma_start3A_403 = tpu.memref_slice %arg3[%mul3A_2] : memref<16384xi32, #tpu.memory_space<hbm>> -> memref<512xi32, #tpu.memory_space<hbm>>
      %dma_start3A_404 = tpu.memref_slice %arg3[%mul3A_2] : memref<16384xi32, #tpu.memory_space<hbm>> -> memref<512xi32, #tpu.memory_space<hbm>>
      tpu.enqueue_dma source(%dma_start3A_404 : memref<512xi32, #tpu.memory_space<hbm>>) target(%arg5 : memref<512xi32, #tpu.memory_space<vmem>>) target_semaphore(%run_scoped3A : memref<!tpu.dma_semaphore, #tpu.memory_space<semaphore_mem>>)
      %dma_wait3A_405 = tpu.memref_slice %arg3[%mul3A_2] : memref<16384xi32, #tpu.memory_space<hbm>> -> memref<512xi32, #tpu.memory_space<hbm>>
      %dma_wait3A_406 = tpu.memref_slice %arg3[%mul3A_2] : memref<16384xi32, #tpu.memory_space<hbm>> -> memref<512xi32, #tpu.memory_space<hbm>>
      tpu.wait_dma2 semaphore(%run_scoped3A : memref<!tpu.dma_semaphore, #tpu.memory_space<semaphore_mem>>) src(%dma_wait3A_406 : memref<512xi32, #tpu.memory_space<hbm>>) dst(%arg5 : memref<512xi32, #tpu.memory_space<vmem>>)
      tpu.yield
    }) : () -> ()
    %get3A = arith.constant 0 : index
    %get3A_23 = tpu.vector_load %arg5[%get3A] {strides = array<i32>} : memref<512xi32, #tpu.memory_space<vmem>>, vector<16xi32>,
    %get3A_24 = vector.shape_cast %get3A_23 : vector<16xi32> to vector<16xi32>
    %add3A_25 = vector.broadcast %mul3A_22 : i32 to vector<16xi32>
    %add3A_26 = arith.addi %get3A_24, %add3A_25 : vector<16xi32>
    %swap3A = arith.constant 0 : index
    %swap3A_27 = tpu.vector_load %arg5[%swap3A] {strides = array<i32>} : memref<512xi32, #tpu.memory_space<vmem>>, vector<16xi32>,
    %swap3A_28 = vector.shape_cast %swap3A_27 : vector<16xi32> to vector<16xi32>
    %swap3A_29 = vector.shape_cast %add3A_26 : vector<16xi32> to vector<16xi32>
    tpu.vector_store %arg5[%swap3A], %swap3A_29 {strides = array<i32>} : memref<512xi32, #tpu.memory_space<vmem>>, vector<16xi32>,
    %get3A_30 = arith.constant 16 : index
    %get3A_31 = tpu.vector_load %arg5[%get3A_30] {strides = array<i32>} : memref<512xi32, #tpu.memory_space<vmem>>, vector<16xi32>,
    %get3A_32 = vector.shape_cast %get3A_31 : vector<16xi32> to vector<16xi32>
    %add3A_33 = vector.broadcast %mul3A_22 : i32 to vector<16xi32>
    %add3A_34 = arith.addi %get3A_32, %add3A_33 : vector<16xi32>
    %swap3A_35 = arith.constant 16 : index
    %swap3A_36 = tpu.vector_load %arg5[%swap3A_35] {strides = array<i32>} : memref<512xi32, #tpu.memory_space<vmem>>, vector<16xi32>,
    %swap3A_37 = vector.shape_cast %swap3A_36 : vector<16xi32> to vector<16xi32>
    %swap3A_38 = vector.shape_cast %add3A_34 : vector<16xi32> to vector<16xi32>
    tpu.vector_store %arg5[%swap3A_35], %swap3A_38 {strides = array<i32>} : memref<512xi32, #tpu.memory_space<vmem>>, vector<16xi32>,
    %get3A_39 = arith.constant 32 : index
    %get3A_40 = tpu.vector_load %arg5[%get3A_39] {strides = array<i32>} : memref<512xi32, #tpu.memory_space<vmem>>, vector<16xi32>,
    %get3A_41 = vector.shape_cast %get3A_40 : vector<16xi32> to vector<16xi32>
    %add3A_42 = vector.broadcast %mul3A_22 : i32 to vector<16xi32>
    %add3A_43 = arith.addi %get3A_41, %add3A_42 : vector<16xi32>
    %swap3A_44 = arith.constant 32 : index
    %swap3A_45 = tpu.vector_load %arg5[%swap3A_44] {strides = array<i32>} : memref<512xi32, #tpu.memory_space<vmem>>, vector<16xi32>,
    %swap3A_46 = vector.shape_cast %swap3A_45 : vector<16xi32> to vector<16xi32>
    %swap3A_47 = vector.shape_cast %add3A_43 : vector<16xi32> to vector<16xi32>
    tpu.vector_store %arg5[%swap3A_44], %swap3A_47 {strides = array<i32>} : memref<512xi32, #tpu.memory_space<vmem>>, vector<16xi32>,
    %get3A_48 = arith.constant 48 : index
    %get3A_49 = tpu.vector_load %arg5[%get3A_48] {strides = array<i32>} : memref<512xi32, #tpu.memory_space<vmem>>, vector<16xi32>,
    %get3A_50 = vector.shape_cast %get3A_49 : vector<16xi32> to vector<16xi32>
    %add3A_51 = vector.broadcast %mul3A_22 : i32 to vector<16xi32>
    %add3A_52 = arith.addi %get3A_50, %add3A_51 : vector<16xi32>
    %swap3A_53 = arith.constant 48 : index
    %swap3A_54 = tpu.vector_load %arg5[%swap3A_53] {strides = array<i32>} : memref<512xi32, #tpu.memory_space<vmem>>, vector<16xi32>,
    %swap3A_55 = vector.shape_cast %swap3A_54 : vector<16xi32> to vector<16xi32>
    %swap3A_56 = vector.shape_cast %add3A_52 : vector<16xi32> to vector<16xi32>
    tpu.vector_store %arg5[%swap3A_53], %swap3A_56 {strides = array<i32>} : memref<512xi32, #tpu.memory_space<vmem>>, vector<16xi32>,
    %get3A_57 = arith.constant 64 : index
    %get3A_58 = tpu.vector_load %arg5[%get3A_57] {strides = array<i32>} : memref<512xi32, #tpu.memory_space<vmem>>, vector<16xi32>,
    %get3A_59 = vector.shape_cast %get3A_58 : vector<16xi32> to vector<16xi32>
    %add3A_60 = vector.broadcast %mul3A_22 : i32 to vector<16xi32>
    %add3A_61 = arith.addi %get3A_59, %add3A_60 : vector<16xi32>
    %swap3A_62 = arith.constant 64 : index
    %swap3A_63 = tpu.vector_load %arg5[%swap3A_62] {strides = array<i32>} : memref<512xi32, #tpu.memory_space<vmem>>, vector<16xi32>,
    %swap3A_64 = vector.shape_cast %swap3A_63 : vector<16xi32> to vector<16xi32>
    %swap3A_65 = vector.shape_cast %add3A_61 : vector<16xi32> to vector<16xi32>
    tpu.vector_store %arg5[%swap3A_62], %swap3A_65 {strides = array<i32>} : memref<512xi32, #tpu.memory_space<vmem>>, vector<16xi32>,
    %get3A_66 = arith.constant 80 : index
    %get3A_67 = tpu.vector_load %arg5[%get3A_66] {strides = array<i32>} : memref<512xi32, #tpu.memory_space<vmem>>, vector<16xi32>,
    %get3A_68 = vector.shape_cast %get3A_67 : vector<16xi32> to vector<16xi32>
    %add3A_69 = vector.broadcast %mul3A_22 : i32 to vector<16xi32>
    %add3A_70 = arith.addi %get3A_68, %add3A_69 : vector<16xi32>
    %swap3A_71 = arith.constant 80 : index
    %swap3A_72 = tpu.vector_load %arg5[%swap3A_71] {strides = array<i32>} : memref<512xi32, #tpu.memory_space<vmem>>, vector<16xi32>,
    %swap3A_73 = vector.shape_cast %swap3A_72 : vector<16xi32> to vector<16xi32>
    %swap3A_74 = vector.shape_cast %add3A_70 : vector<16xi32> to vector<16xi32>
    tpu.vector_store %arg5[%swap3A_71], %swap3A_74 {strides = array<i32>} : memref<512xi32, #tpu.memory_space<vmem>>, vector<16xi32>,
    %get3A_75 = arith.constant 96 : index
    %get3A_76 = tpu.vector_load %arg5[%get3A_75] {strides = array<i32>} : memref<512xi32, #tpu.memory_space<vmem>>, vector<16xi32>,
    %get3A_77 = vector.shape_cast %get3A_76 : vector<16xi32> to vector<16xi32>
    %add3A_78 = vector.broadcast %mul3A_22 : i32 to vector<16xi32>
    %add3A_79 = arith.addi %get3A_77, %add3A_78 : vector<16xi32>
    %swap3A_80 = arith.constant 96 : index
    %swap3A_81 = tpu.vector_load %arg5[%swap3A_80] {strides = array<i32>} : memref<512xi32, #tpu.memory_space<vmem>>, vector<16xi32>,
    %swap3A_82 = vector.shape_cast %swap3A_81 : vector<16xi32> to vector<16xi32>
    %swap3A_83 = vector.shape_cast %add3A_79 : vector<16xi32> to vector<16xi32>
    tpu.vector_store %arg5[%swap3A_80], %swap3A_83 {strides = array<i32>} : memref<512xi32, #tpu.memory_space<vmem>>, vector<16xi32>,
    %get3A_84 = arith.constant 112 : index
    %get3A_85 = tpu.vector_load %arg5[%get3A_84] {strides = array<i32>} : memref<512xi32, #tpu.memory_space<vmem>>, vector<16xi32>,
    %get3A_86 = vector.shape_cast %get3A_85 : vector<16xi32> to vector<16xi32>
    %add3A_87 = vector.broadcast %mul3A_22 : i32 to vector<16xi32>
    %add3A_88 = arith.addi %get3A_86, %add3A_87 : vector<16xi32>
    %swap3A_89 = arith.constant 112 : index
    %swap3A_90 = tpu.vector_load %arg5[%swap3A_89] {strides = array<i32>} : memref<512xi32, #tpu.memory_space<vmem>>, vector<16xi32>,
    %swap3A_91 = vector.shape_cast %swap3A_90 : vector<16xi32> to vector<16xi32>
    %swap3A_92 = vector.shape_cast %add3A_88 : vector<16xi32> to vector<16xi32>
    tpu.vector_store %arg5[%swap3A_89], %swap3A_92 {strides = array<i32>} : memref<512xi32, #tpu.memory_space<vmem>>, vector<16xi32>,
    %get3A_93 = arith.constant 128 : index
    %get3A_94 = tpu.vector_load %arg5[%get3A_93] {strides = array<i32>} : memref<512xi32, #tpu.memory_space<vmem>>, vector<16xi32>,
    %get3A_95 = vector.shape_cast %get3A_94 : vector<16xi32> to vector<16xi32>
    %add3A_96 = vector.broadcast %mul3A_22 : i32 to vector<16xi32>
    %add3A_97 = arith.addi %get3A_95, %add3A_96 : vector<16xi32>
    %swap3A_98 = arith.constant 128 : index
    %swap3A_99 = tpu.vector_load %arg5[%swap3A_98] {strides = array<i32>} : memref<512xi32, #tpu.memory_space<vmem>>, vector<16xi32>,
    %swap3A_100 = vector.shape_cast %swap3A_99 : vector<16xi32> to vector<16xi32>
    %swap3A_101 = vector.shape_cast %add3A_97 : vector<16xi32> to vector<16xi32>
    tpu.vector_store %arg5[%swap3A_98], %swap3A_101 {strides = array<i32>} : memref<512xi32, #tpu.memory_space<vmem>>, vector<16xi32>,
    %get3A_102 = arith.constant 144 : index
    %get3A_103 = tpu.vector_load %arg5[%get3A_102] {strides = array<i32>} : memref<512xi32, #tpu.memory_space<vmem>>, vector<16xi32>,
    %get3A_104 = vector.shape_cast %get3A_103 : vector<16xi32> to vector<16xi32>
    %add3A_105 = vector.broadcast %mul3A_22 : i32 to vector<16xi32>
    %add3A_106 = arith.addi %get3A_104, %add3A_105 : vector<16xi32>
    %swap3A_107 = arith.constant 144 : index
    %swap3A_108 = tpu.vector_load %arg5[%swap3A_107] {strides = array<i32>} : memref<512xi32, #tpu.memory_space<vmem>>, vector<16xi32>,
    %swap3A_109 = vector.shape_cast %swap3A_108 : vector<16xi32> to vector<16xi32>
    %swap3A_110 = vector.shape_cast %add3A_106 : vector<16xi32> to vector<16xi32>
    tpu.vector_store %arg5[%swap3A_107], %swap3A_110 {strides = array<i32>} : memref<512xi32, #tpu.memory_space<vmem>>, vector<16xi32>,
    %get3A_111 = arith.constant 160 : index
    %get3A_112 = tpu.vector_load %arg5[%get3A_111] {strides = array<i32>} : memref<512xi32, #tpu.memory_space<vmem>>, vector<16xi32>,
    %get3A_113 = vector.shape_cast %get3A_112 : vector<16xi32> to vector<16xi32>
    %add3A_114 = vector.broadcast %mul3A_22 : i32 to vector<16xi32>
    %add3A_115 = arith.addi %get3A_113, %add3A_114 : vector<16xi32>
    %swap3A_116 = arith.constant 160 : index
    %swap3A_117 = tpu.vector_load %arg5[%swap3A_116] {strides = array<i32>} : memref<512xi32, #tpu.memory_space<vmem>>, vector<16xi32>,
    %swap3A_118 = vector.shape_cast %swap3A_117 : vector<16xi32> to vector<16xi32>
    %swap3A_119 = vector.shape_cast %add3A_115 : vector<16xi32> to vector<16xi32>
    tpu.vector_store %arg5[%swap3A_116], %swap3A_119 {strides = array<i32>} : memref<512xi32, #tpu.memory_space<vmem>>, vector<16xi32>,
    %get3A_120 = arith.constant 176 : index
    %get3A_121 = tpu.vector_load %arg5[%get3A_120] {strides = array<i32>} : memref<512xi32, #tpu.memory_space<vmem>>, vector<16xi32>,
    %get3A_122 = vector.shape_cast %get3A_121 : vector<16xi32> to vector<16xi32>
    %add3A_123 = vector.broadcast %mul3A_22 : i32 to vector<16xi32>
    %add3A_124 = arith.addi %get3A_122, %add3A_123 : vector<16xi32>
    %swap3A_125 = arith.constant 176 : index
    %swap3A_126 = tpu.vector_load %arg5[%swap3A_125] {strides = array<i32>} : memref<512xi32, #tpu.memory_space<vmem>>, vector<16xi32>,
    %swap3A_127 = vector.shape_cast %swap3A_126 : vector<16xi32> to vector<16xi32>
    %swap3A_128 = vector.shape_cast %add3A_124 : vector<16xi32> to vector<16xi32>
    tpu.vector_store %arg5[%swap3A_125], %swap3A_128 {strides = array<i32>} : memref<512xi32, #tpu.memory_space<vmem>>, vector<16xi32>,
    %get3A_129 = arith.constant 192 : index
    %get3A_130 = tpu.vector_load %arg5[%get3A_129] {strides = array<i32>} : memref<512xi32, #tpu.memory_space<vmem>>, vector<16xi32>,
    %get3A_131 = vector.shape_cast %get3A_130 : vector<16xi32> to vector<16xi32>
    %add3A_132 = vector.broadcast %mul3A_22 : i32 to vector<16xi32>
    %add3A_133 = arith.addi %get3A_131, %add3A_132 : vector<16xi32>
    %swap3A_134 = arith.constant 192 : index
    %swap3A_135 = tpu.vector_load %arg5[%swap3A_134] {strides = array<i32>} : memref<512xi32, #tpu.memory_space<vmem>>, vector<16xi32>,
    %swap3A_136 = vector.shape_cast %swap3A_135 : vector<16xi32> to vector<16xi32>
    %swap3A_137 = vector.shape_cast %add3A_133 : vector<16xi32> to vector<16xi32>
    tpu.vector_store %arg5[%swap3A_134], %swap3A_137 {strides = array<i32>} : memref<512xi32, #tpu.memory_space<vmem>>, vector<16xi32>,
    %get3A_138 = arith.constant 208 : index
    %get3A_139 = tpu.vector_load %arg5[%get3A_138] {strides = array<i32>} : memref<512xi32, #tpu.memory_space<vmem>>, vector<16xi32>,
    %get3A_140 = vector.shape_cast %get3A_139 : vector<16xi32> to vector<16xi32>
    %add3A_141 = vector.broadcast %mul3A_22 : i32 to vector<16xi32>
    %add3A_142 = arith.addi %get3A_140, %add3A_141 : vector<16xi32>
    %swap3A_143 = arith.constant 208 : index
    %swap3A_144 = tpu.vector_load %arg5[%swap3A_143] {strides = array<i32>} : memref<512xi32, #tpu.memory_space<vmem>>, vector<16xi32>,
    %swap3A_145 = vector.shape_cast %swap3A_144 : vector<16xi32> to vector<16xi32>
    %swap3A_146 = vector.shape_cast %add3A_142 : vector<16xi32> to vector<16xi32>
    tpu.vector_store %arg5[%swap3A_143], %swap3A_146 {strides = array<i32>} : memref<512xi32, #tpu.memory_space<vmem>>, vector<16xi32>,
    %get3A_147 = arith.constant 224 : index
    %get3A_148 = tpu.vector_load %arg5[%get3A_147] {strides = array<i32>} : memref<512xi32, #tpu.memory_space<vmem>>, vector<16xi32>,
    %get3A_149 = vector.shape_cast %get3A_148 : vector<16xi32> to vector<16xi32>
    %add3A_150 = vector.broadcast %mul3A_22 : i32 to vector<16xi32>
    %add3A_151 = arith.addi %get3A_149, %add3A_150 : vector<16xi32>
    %swap3A_152 = arith.constant 224 : index
    %swap3A_153 = tpu.vector_load %arg5[%swap3A_152] {strides = array<i32>} : memref<512xi32, #tpu.memory_space<vmem>>, vector<16xi32>,
    %swap3A_154 = vector.shape_cast %swap3A_153 : vector<16xi32> to vector<16xi32>
    %swap3A_155 = vector.shape_cast %add3A_151 : vector<16xi32> to vector<16xi32>
    tpu.vector_store %arg5[%swap3A_152], %swap3A_155 {strides = array<i32>} : memref<512xi32, #tpu.memory_space<vmem>>, vector<16xi32>,
    %get3A_156 = arith.constant 240 : index
    %get3A_157 = tpu.vector_load %arg5[%get3A_156] {strides = array<i32>} : memref<512xi32, #tpu.memory_space<vmem>>, vector<16xi32>,
    %get3A_158 = vector.shape_cast %get3A_157 : vector<16xi32> to vector<16xi32>
    %add3A_159 = vector.broadcast %mul3A_22 : i32 to vector<16xi32>
    %add3A_160 = arith.addi %get3A_158, %add3A_159 : vector<16xi32>
    %swap3A_161 = arith.constant 240 : index
    %swap3A_162 = tpu.vector_load %arg5[%swap3A_161] {strides = array<i32>} : memref<512xi32, #tpu.memory_space<vmem>>, vector<16xi32>,
    %swap3A_163 = vector.shape_cast %swap3A_162 : vector<16xi32> to vector<16xi32>
    %swap3A_164 = vector.shape_cast %add3A_160 : vector<16xi32> to vector<16xi32>
    tpu.vector_store %arg5[%swap3A_161], %swap3A_164 {strides = array<i32>} : memref<512xi32, #tpu.memory_space<vmem>>, vector<16xi32>,
    %get3A_165 = arith.constant 256 : index
    %get3A_166 = tpu.vector_load %arg5[%get3A_165] {strides = array<i32>} : memref<512xi32, #tpu.memory_space<vmem>>, vector<16xi32>,
    %get3A_167 = vector.shape_cast %get3A_166 : vector<16xi32> to vector<16xi32>
    %add3A_168 = vector.broadcast %mul3A_22 : i32 to vector<16xi32>
    %add3A_169 = arith.addi %get3A_167, %add3A_168 : vector<16xi32>
    %swap3A_170 = arith.constant 256 : index
    %swap3A_171 = tpu.vector_load %arg5[%swap3A_170] {strides = array<i32>} : memref<512xi32, #tpu.memory_space<vmem>>, vector<16xi32>,
    %swap3A_172 = vector.shape_cast %swap3A_171 : vector<16xi32> to vector<16xi32>
    %swap3A_173 = vector.shape_cast %add3A_169 : vector<16xi32> to vector<16xi32>
    tpu.vector_store %arg5[%swap3A_170], %swap3A_173 {strides = array<i32>} : memref<512xi32, #tpu.memory_space<vmem>>, vector<16xi32>,
    %get3A_174 = arith.constant 272 : index
    %get3A_175 = tpu.vector_load %arg5[%get3A_174] {strides = array<i32>} : memref<512xi32, #tpu.memory_space<vmem>>, vector<16xi32>,
    %get3A_176 = vector.shape_cast %get3A_175 : vector<16xi32> to vector<16xi32>
    %add3A_177 = vector.broadcast %mul3A_22 : i32 to vector<16xi32>
    %add3A_178 = arith.addi %get3A_176, %add3A_177 : vector<16xi32>
    %swap3A_179 = arith.constant 272 : index
    %swap3A_180 = tpu.vector_load %arg5[%swap3A_179] {strides = array<i32>} : memref<512xi32, #tpu.memory_space<vmem>>, vector<16xi32>,
    %swap3A_181 = vector.shape_cast %swap3A_180 : vector<16xi32> to vector<16xi32>
    %swap3A_182 = vector.shape_cast %add3A_178 : vector<16xi32> to vector<16xi32>
    tpu.vector_store %arg5[%swap3A_179], %swap3A_182 {strides = array<i32>} : memref<512xi32, #tpu.memory_space<vmem>>, vector<16xi32>,
    %get3A_183 = arith.constant 288 : index
    %get3A_184 = tpu.vector_load %arg5[%get3A_183] {strides = array<i32>} : memref<512xi32, #tpu.memory_space<vmem>>, vector<16xi32>,
    %get3A_185 = vector.shape_cast %get3A_184 : vector<16xi32> to vector<16xi32>
    %add3A_186 = vector.broadcast %mul3A_22 : i32 to vector<16xi32>
    %add3A_187 = arith.addi %get3A_185, %add3A_186 : vector<16xi32>
    %swap3A_188 = arith.constant 288 : index
    %swap3A_189 = tpu.vector_load %arg5[%swap3A_188] {strides = array<i32>} : memref<512xi32, #tpu.memory_space<vmem>>, vector<16xi32>,
    %swap3A_190 = vector.shape_cast %swap3A_189 : vector<16xi32> to vector<16xi32>
    %swap3A_191 = vector.shape_cast %add3A_187 : vector<16xi32> to vector<16xi32>
    tpu.vector_store %arg5[%swap3A_188], %swap3A_191 {strides = array<i32>} : memref<512xi32, #tpu.memory_space<vmem>>, vector<16xi32>,
    %get3A_192 = arith.constant 304 : index
    %get3A_193 = tpu.vector_load %arg5[%get3A_192] {strides = array<i32>} : memref<512xi32, #tpu.memory_space<vmem>>, vector<16xi32>,
    %get3A_194 = vector.shape_cast %get3A_193 : vector<16xi32> to vector<16xi32>
    %add3A_195 = vector.broadcast %mul3A_22 : i32 to vector<16xi32>
    %add3A_196 = arith.addi %get3A_194, %add3A_195 : vector<16xi32>
    %swap3A_197 = arith.constant 304 : index
    %swap3A_198 = tpu.vector_load %arg5[%swap3A_197] {strides = array<i32>} : memref<512xi32, #tpu.memory_space<vmem>>, vector<16xi32>,
    %swap3A_199 = vector.shape_cast %swap3A_198 : vector<16xi32> to vector<16xi32>
    %swap3A_200 = vector.shape_cast %add3A_196 : vector<16xi32> to vector<16xi32>
    tpu.vector_store %arg5[%swap3A_197], %swap3A_200 {strides = array<i32>} : memref<512xi32, #tpu.memory_space<vmem>>, vector<16xi32>,
    %get3A_201 = arith.constant 320 : index
    %get3A_202 = tpu.vector_load %arg5[%get3A_201] {strides = array<i32>} : memref<512xi32, #tpu.memory_space<vmem>>, vector<16xi32>,
    %get3A_203 = vector.shape_cast %get3A_202 : vector<16xi32> to vector<16xi32>
    %add3A_204 = vector.broadcast %mul3A_22 : i32 to vector<16xi32>
    %add3A_205 = arith.addi %get3A_203, %add3A_204 : vector<16xi32>
    %swap3A_206 = arith.constant 320 : index
    %swap3A_207 = tpu.vector_load %arg5[%swap3A_206] {strides = array<i32>} : memref<512xi32, #tpu.memory_space<vmem>>, vector<16xi32>,
    %swap3A_208 = vector.shape_cast %swap3A_207 : vector<16xi32> to vector<16xi32>
    %swap3A_209 = vector.shape_cast %add3A_205 : vector<16xi32> to vector<16xi32>
    tpu.vector_store %arg5[%swap3A_206], %swap3A_209 {strides = array<i32>} : memref<512xi32, #tpu.memory_space<vmem>>, vector<16xi32>,
    %get3A_210 = arith.constant 336 : index
    %get3A_211 = tpu.vector_load %arg5[%get3A_210] {strides = array<i32>} : memref<512xi32, #tpu.memory_space<vmem>>, vector<16xi32>,
    %get3A_212 = vector.shape_cast %get3A_211 : vector<16xi32> to vector<16xi32>
    %add3A_213 = vector.broadcast %mul3A_22 : i32 to vector<16xi32>
    %add3A_214 = arith.addi %get3A_212, %add3A_213 : vector<16xi32>
    %swap3A_215 = arith.constant 336 : index
    %swap3A_216 = tpu.vector_load %arg5[%swap3A_215] {strides = array<i32>} : memref<512xi32, #tpu.memory_space<vmem>>, vector<16xi32>,
    %swap3A_217 = vector.shape_cast %swap3A_216 : vector<16xi32> to vector<16xi32>
    %swap3A_218 = vector.shape_cast %add3A_214 : vector<16xi32> to vector<16xi32>
    tpu.vector_store %arg5[%swap3A_215], %swap3A_218 {strides = array<i32>} : memref<512xi32, #tpu.memory_space<vmem>>, vector<16xi32>,
    %get3A_219 = arith.constant 352 : index
    %get3A_220 = tpu.vector_load %arg5[%get3A_219] {strides = array<i32>} : memref<512xi32, #tpu.memory_space<vmem>>, vector<16xi32>,
    %get3A_221 = vector.shape_cast %get3A_220 : vector<16xi32> to vector<16xi32>
    %add3A_222 = vector.broadcast %mul3A_22 : i32 to vector<16xi32>
    %add3A_223 = arith.addi %get3A_221, %add3A_222 : vector<16xi32>
    %swap3A_224 = arith.constant 352 : index
    %swap3A_225 = tpu.vector_load %arg5[%swap3A_224] {strides = array<i32>} : memref<512xi32, #tpu.memory_space<vmem>>, vector<16xi32>,
    %swap3A_226 = vector.shape_cast %swap3A_225 : vector<16xi32> to vector<16xi32>
    %swap3A_227 = vector.shape_cast %add3A_223 : vector<16xi32> to vector<16xi32>
    tpu.vector_store %arg5[%swap3A_224], %swap3A_227 {strides = array<i32>} : memref<512xi32, #tpu.memory_space<vmem>>, vector<16xi32>,
    %get3A_228 = arith.constant 368 : index
    %get3A_229 = tpu.vector_load %arg5[%get3A_228] {strides = array<i32>} : memref<512xi32, #tpu.memory_space<vmem>>, vector<16xi32>,
    %get3A_230 = vector.shape_cast %get3A_229 : vector<16xi32> to vector<16xi32>
    %add3A_231 = vector.broadcast %mul3A_22 : i32 to vector<16xi32>
    %add3A_232 = arith.addi %get3A_230, %add3A_231 : vector<16xi32>
    %swap3A_233 = arith.constant 368 : index
    %swap3A_234 = tpu.vector_load %arg5[%swap3A_233] {strides = array<i32>} : memref<512xi32, #tpu.memory_space<vmem>>, vector<16xi32>,
    %swap3A_235 = vector.shape_cast %swap3A_234 : vector<16xi32> to vector<16xi32>
    %swap3A_236 = vector.shape_cast %add3A_232 : vector<16xi32> to vector<16xi32>
    tpu.vector_store %arg5[%swap3A_233], %swap3A_236 {strides = array<i32>} : memref<512xi32, #tpu.memory_space<vmem>>, vector<16xi32>,
    %get3A_237 = arith.constant 384 : index
    %get3A_238 = tpu.vector_load %arg5[%get3A_237] {strides = array<i32>} : memref<512xi32, #tpu.memory_space<vmem>>, vector<16xi32>,
    %get3A_239 = vector.shape_cast %get3A_238 : vector<16xi32> to vector<16xi32>
    %add3A_240 = vector.broadcast %mul3A_22 : i32 to vector<16xi32>
    %add3A_241 = arith.addi %get3A_239, %add3A_240 : vector<16xi32>
    %swap3A_242 = arith.constant 384 : index
    %swap3A_243 = tpu.vector_load %arg5[%swap3A_242] {strides = array<i32>} : memref<512xi32, #tpu.memory_space<vmem>>, vector<16xi32>,
    %swap3A_244 = vector.shape_cast %swap3A_243 : vector<16xi32> to vector<16xi32>
    %swap3A_245 = vector.shape_cast %add3A_241 : vector<16xi32> to vector<16xi32>
    tpu.vector_store %arg5[%swap3A_242], %swap3A_245 {strides = array<i32>} : memref<512xi32, #tpu.memory_space<vmem>>, vector<16xi32>,
    %get3A_246 = arith.constant 400 : index
    %get3A_247 = tpu.vector_load %arg5[%get3A_246] {strides = array<i32>} : memref<512xi32, #tpu.memory_space<vmem>>, vector<16xi32>,
    %get3A_248 = vector.shape_cast %get3A_247 : vector<16xi32> to vector<16xi32>
    %add3A_249 = vector.broadcast %mul3A_22 : i32 to vector<16xi32>
    %add3A_250 = arith.addi %get3A_248, %add3A_249 : vector<16xi32>
    %swap3A_251 = arith.constant 400 : index
    %swap3A_252 = tpu.vector_load %arg5[%swap3A_251] {strides = array<i32>} : memref<512xi32, #tpu.memory_space<vmem>>, vector<16xi32>,
    %swap3A_253 = vector.shape_cast %swap3A_252 : vector<16xi32> to vector<16xi32>
    %swap3A_254 = vector.shape_cast %add3A_250 : vector<16xi32> to vector<16xi32>
    tpu.vector_store %arg5[%swap3A_251], %swap3A_254 {strides = array<i32>} : memref<512xi32, #tpu.memory_space<vmem>>, vector<16xi32>,
    %get3A_255 = arith.constant 416 : index
    %get3A_256 = tpu.vector_load %arg5[%get3A_255] {strides = array<i32>} : memref<512xi32, #tpu.memory_space<vmem>>, vector<16xi32>,
    %get3A_257 = vector.shape_cast %get3A_256 : vector<16xi32> to vector<16xi32>
    %add3A_258 = vector.broadcast %mul3A_22 : i32 to vector<16xi32>
    %add3A_259 = arith.addi %get3A_257, %add3A_258 : vector<16xi32>
    %swap3A_260 = arith.constant 416 : index
    %swap3A_261 = tpu.vector_load %arg5[%swap3A_260] {strides = array<i32>} : memref<512xi32, #tpu.memory_space<vmem>>, vector<16xi32>,
    %swap3A_262 = vector.shape_cast %swap3A_261 : vector<16xi32> to vector<16xi32>
    %swap3A_263 = vector.shape_cast %add3A_259 : vector<16xi32> to vector<16xi32>
    tpu.vector_store %arg5[%swap3A_260], %swap3A_263 {strides = array<i32>} : memref<512xi32, #tpu.memory_space<vmem>>, vector<16xi32>,
    %get3A_264 = arith.constant 432 : index
    %get3A_265 = tpu.vector_load %arg5[%get3A_264] {strides = array<i32>} : memref<512xi32, #tpu.memory_space<vmem>>, vector<16xi32>,
    %get3A_266 = vector.shape_cast %get3A_265 : vector<16xi32> to vector<16xi32>
    %add3A_267 = vector.broadcast %mul3A_22 : i32 to vector<16xi32>
    %add3A_268 = arith.addi %get3A_266, %add3A_267 : vector<16xi32>
    %swap3A_269 = arith.constant 432 : index
    %swap3A_270 = tpu.vector_load %arg5[%swap3A_269] {strides = array<i32>} : memref<512xi32, #tpu.memory_space<vmem>>, vector<16xi32>,
    %swap3A_271 = vector.shape_cast %swap3A_270 : vector<16xi32> to vector<16xi32>
    %swap3A_272 = vector.shape_cast %add3A_268 : vector<16xi32> to vector<16xi32>
    tpu.vector_store %arg5[%swap3A_269], %swap3A_272 {strides = array<i32>} : memref<512xi32, #tpu.memory_space<vmem>>, vector<16xi32>,
    %get3A_273 = arith.constant 448 : index
    %get3A_274 = tpu.vector_load %arg5[%get3A_273] {strides = array<i32>} : memref<512xi32, #tpu.memory_space<vmem>>, vector<16xi32>,
    %get3A_275 = vector.shape_cast %get3A_274 : vector<16xi32> to vector<16xi32>
    %add3A_276 = vector.broadcast %mul3A_22 : i32 to vector<16xi32>
    %add3A_277 = arith.addi %get3A_275, %add3A_276 : vector<16xi32>
    %swap3A_278 = arith.constant 448 : index
    %swap3A_279 = tpu.vector_load %arg5[%swap3A_278] {strides = array<i32>} : memref<512xi32, #tpu.memory_space<vmem>>, vector<16xi32>,
    %swap3A_280 = vector.shape_cast %swap3A_279 : vector<16xi32> to vector<16xi32>
    %swap3A_281 = vector.shape_cast %add3A_277 : vector<16xi32> to vector<16xi32>
    tpu.vector_store %arg5[%swap3A_278], %swap3A_281 {strides = array<i32>} : memref<512xi32, #tpu.memory_space<vmem>>, vector<16xi32>,
    %get3A_282 = arith.constant 464 : index
    %get3A_283 = tpu.vector_load %arg5[%get3A_282] {strides = array<i32>} : memref<512xi32, #tpu.memory_space<vmem>>, vector<16xi32>,
    %get3A_284 = vector.shape_cast %get3A_283 : vector<16xi32> to vector<16xi32>
    %add3A_285 = vector.broadcast %mul3A_22 : i32 to vector<16xi32>
    %add3A_286 = arith.addi %get3A_284, %add3A_285 : vector<16xi32>
    %swap3A_287 = arith.constant 464 : index
    %swap3A_288 = tpu.vector_load %arg5[%swap3A_287] {strides = array<i32>} : memref<512xi32, #tpu.memory_space<vmem>>, vector<16xi32>,
    %swap3A_289 = vector.shape_cast %swap3A_288 : vector<16xi32> to vector<16xi32>
    %swap3A_290 = vector.shape_cast %add3A_286 : vector<16xi32> to vector<16xi32>
    tpu.vector_store %arg5[%swap3A_287], %swap3A_290 {strides = array<i32>} : memref<512xi32, #tpu.memory_space<vmem>>, vector<16xi32>,
    %get3A_291 = arith.constant 480 : index
    %get3A_292 = tpu.vector_load %arg5[%get3A_291] {strides = array<i32>} : memref<512xi32, #tpu.memory_space<vmem>>, vector<16xi32>,
    %get3A_293 = vector.shape_cast %get3A_292 : vector<16xi32> to vector<16xi32>
    %add3A_294 = vector.broadcast %mul3A_22 : i32 to vector<16xi32>
    %add3A_295 = arith.addi %get3A_293, %add3A_294 : vector<16xi32>
    %swap3A_296 = arith.constant 480 : index
    %swap3A_297 = tpu.vector_load %arg5[%swap3A_296] {strides = array<i32>} : memref<512xi32, #tpu.memory_space<vmem>>, vector<16xi32>,
    %swap3A_298 = vector.shape_cast %swap3A_297 : vector<16xi32> to vector<16xi32>
    %swap3A_299 = vector.shape_cast %add3A_295 : vector<16xi32> to vector<16xi32>
    tpu.vector_store %arg5[%swap3A_296], %swap3A_299 {strides = array<i32>} : memref<512xi32, #tpu.memory_space<vmem>>, vector<16xi32>,
    %get3A_300 = arith.constant 496 : index
    %get3A_301 = tpu.vector_load %arg5[%get3A_300] {strides = array<i32>} : memref<512xi32, #tpu.memory_space<vmem>>, vector<16xi32>,
    %get3A_302 = vector.shape_cast %get3A_301 : vector<16xi32> to vector<16xi32>
    %add3A_303 = vector.broadcast %mul3A_22 : i32 to vector<16xi32>
    %add3A_304 = arith.addi %get3A_302, %add3A_303 : vector<16xi32>
    %swap3A_305 = arith.constant 496 : index
    %swap3A_306 = tpu.vector_load %arg5[%swap3A_305] {strides = array<i32>} : memref<512xi32, #tpu.memory_space<vmem>>, vector<16xi32>,
    %swap3A_307 = vector.shape_cast %swap3A_306 : vector<16xi32> to vector<16xi32>
    %swap3A_308 = vector.shape_cast %add3A_304 : vector<16xi32> to vector<16xi32>
    tpu.vector_store %arg5[%swap3A_305], %swap3A_308 {strides = array<i32>} : memref<512xi32, #tpu.memory_space<vmem>>, vector<16xi32>,
    %dma_start3A = arith.constant 0 : i32
    %dma_start3A_309 = tpu.memref_slice %arg5[%dma_start3A] : memref<512xi32, #tpu.memory_space<vmem>> -> memref<64xi32, #tpu.memory_space<vmem>>
    %dma_start3A_310 = arith.constant 0 : i32
    %dma_start3A_311 = arith.constant 0 : i32
    %dma_start3A_312 = tpu.memref_slice %arg2[%dma_start3A_310, %dma_start3A_311] : memref<65536x512xf32, #tpu.memory_space<hbm>> -> memref<65536x512xf32, #tpu.memory_space<hbm>>
    tpu.enqueue_indirect_dma source(%dma_start3A_312 : memref<65536x512xf32, #tpu.memory_space<hbm>>) target(%arg6 : memref<64x512xf32, #tpu.memory_space<vmem>>) offsets(%dma_start3A_309 : memref<64xi32, #tpu.memory_space<vmem>>) semaphore(%arg8 : memref<!tpu.dma_semaphore, #tpu.memory_space<semaphore_mem>>)
    %dma_start3A_313 = arith.constant 64 : i32
    %dma_start3A_314 = tpu.memref_slice %arg5[%dma_start3A_313] : memref<512xi32, #tpu.memory_space<vmem>> -> memref<64xi32, #tpu.memory_space<vmem>>
    %dma_start3A_315 = arith.constant 0 : i32
    %dma_start3A_316 = arith.constant 0 : i32
    %dma_start3A_317 = tpu.memref_slice %arg2[%dma_start3A_315, %dma_start3A_316] : memref<65536x512xf32, #tpu.memory_space<hbm>> -> memref<65536x512xf32, #tpu.memory_space<hbm>>
    tpu.enqueue_indirect_dma source(%dma_start3A_317 : memref<65536x512xf32, #tpu.memory_space<hbm>>) target(%arg7 : memref<64x512xf32, #tpu.memory_space<vmem>>) offsets(%dma_start3A_314 : memref<64xi32, #tpu.memory_space<vmem>>) semaphore(%arg9 : memref<!tpu.dma_semaphore, #tpu.memory_space<semaphore_mem>>)
    %dma_wait3A = arith.constant 0 : i32
    %dma_wait3A_318 = tpu.memref_slice %arg5[%dma_wait3A] : memref<512xi32, #tpu.memory_space<vmem>> -> memref<64xi32, #tpu.memory_space<vmem>>
    %dma_wait3A_319 = arith.constant 0 : i32
    %dma_wait3A_320 = arith.constant 0 : i32
    %dma_wait3A_321 = tpu.memref_slice %arg2[%dma_wait3A_319, %dma_wait3A_320] : memref<65536x512xf32, #tpu.memory_space<hbm>> -> memref<65536x512xf32, #tpu.memory_space<hbm>>
    tpu.wait_indirect_dma semaphore(%arg8 : memref<!tpu.dma_semaphore, #tpu.memory_space<semaphore_mem>>) src(%dma_wait3A_321 : memref<65536x512xf32, #tpu.memory_space<hbm>>) dst(%arg6 : memref<64x512xf32, #tpu.memory_space<vmem>>)
    %add3A_322 = arith.constant 0 : i32
    %add3A_323 = arith.addi %mul3A_2, %add3A_322 : i32
    "tpu.region"() ({
      %run_scoped3A = tpu.sem_alloc : memref<!tpu.dma_semaphore, #tpu.memory_space<semaphore_mem>>
      %dma_start3A_403 = arith.constant 0 : i32
      %dma_start3A_404 = tpu.memref_slice %arg4[%add3A_323, %dma_start3A_403] : memref<16384x512xf32, #tpu.memory_space<hbm>> -> memref<64x512xf32, #tpu.memory_space<hbm>>
      %dma_start3A_405 = arith.constant 0 : i32
      %dma_start3A_406 = tpu.memref_slice %arg4[%add3A_323, %dma_start3A_405] : memref<16384x512xf32, #tpu.memory_space<hbm>> -> memref<64x512xf32, #tpu.memory_space<hbm>>
      tpu.enqueue_dma source(%arg6 : memref<64x512xf32, #tpu.memory_space<vmem>>) target(%dma_start3A_406 : memref<64x512xf32, #tpu.memory_space<hbm>>) target_semaphore(%run_scoped3A : memref<!tpu.dma_semaphore, #tpu.memory_space<semaphore_mem>>)
      %dma_wait3A_407 = arith.constant 0 : i32
      %dma_wait3A_408 = tpu.memref_slice %arg4[%add3A_323, %dma_wait3A_407] : memref<16384x512xf32, #tpu.memory_space<hbm>> -> memref<64x512xf32, #tpu.memory_space<hbm>>
      %dma_wait3A_409 = arith.constant 0 : i32
      %dma_wait3A_410 = tpu.memref_slice %arg4[%add3A_323, %dma_wait3A_409] : memref<16384x512xf32, #tpu.memory_space<hbm>> -> memref<64x512xf32, #tpu.memory_space<hbm>>
      tpu.wait_dma2 semaphore(%run_scoped3A : memref<!tpu.dma_semaphore, #tpu.memory_space<semaphore_mem>>) src(%arg6 : memref<64x512xf32, #tpu.memory_space<vmem>>) dst(%dma_wait3A_410 : memref<64x512xf32, #tpu.memory_space<hbm>>)
      tpu.yield
    }) : () -> ()
    %dma_start3A_324 = arith.constant 128 : i32
    %dma_start3A_325 = tpu.memref_slice %arg5[%dma_start3A_324] : memref<512xi32, #tpu.memory_space<vmem>> -> memref<64xi32, #tpu.memory_space<vmem>>
    %dma_start3A_326 = arith.constant 0 : i32
    %dma_start3A_327 = arith.constant 0 : i32
    %dma_start3A_328 = tpu.memref_slice %arg2[%dma_start3A_326, %dma_start3A_327] : memref<65536x512xf32, #tpu.memory_space<hbm>> -> memref<65536x512xf32, #tpu.memory_space<hbm>>
    tpu.enqueue_indirect_dma source(%dma_start3A_328 : memref<65536x512xf32, #tpu.memory_space<hbm>>) target(%arg6 : memref<64x512xf32, #tpu.memory_space<vmem>>) offsets(%dma_start3A_325 : memref<64xi32, #tpu.memory_space<vmem>>) semaphore(%arg8 : memref<!tpu.dma_semaphore, #tpu.memory_space<semaphore_mem>>)
    %dma_wait3A_329 = arith.constant 64 : i32
    %dma_wait3A_330 = tpu.memref_slice %arg5[%dma_wait3A_329] : memref<512xi32, #tpu.memory_space<vmem>> -> memref<64xi32, #tpu.memory_space<vmem>>
    %dma_wait3A_331 = arith.constant 0 : i32
    %dma_wait3A_332 = arith.constant 0 : i32
    %dma_wait3A_333 = tpu.memref_slice %arg2[%dma_wait3A_331, %dma_wait3A_332] : memref<65536x512xf32, #tpu.memory_space<hbm>> -> memref<65536x512xf32, #tpu.memory_space<hbm>>
    tpu.wait_indirect_dma semaphore(%arg9 : memref<!tpu.dma_semaphore, #tpu.memory_space<semaphore_mem>>) src(%dma_wait3A_333 : memref<65536x512xf32, #tpu.memory_space<hbm>>) dst(%arg7 : memref<64x512xf32, #tpu.memory_space<vmem>>)
    %add3A_334 = arith.constant 64 : i32
    %add3A_335 = arith.addi %mul3A_2, %add3A_334 : i32
    "tpu.region"() ({
      %run_scoped3A = tpu.sem_alloc : memref<!tpu.dma_semaphore, #tpu.memory_space<semaphore_mem>>
      %dma_start3A_403 = arith.constant 0 : i32
      %dma_start3A_404 = tpu.memref_slice %arg4[%add3A_335, %dma_start3A_403] : memref<16384x512xf32, #tpu.memory_space<hbm>> -> memref<64x512xf32, #tpu.memory_space<hbm>>
      %dma_start3A_405 = arith.constant 0 : i32
      %dma_start3A_406 = tpu.memref_slice %arg4[%add3A_335, %dma_start3A_405] : memref<16384x512xf32, #tpu.memory_space<hbm>> -> memref<64x512xf32, #tpu.memory_space<hbm>>
      tpu.enqueue_dma source(%arg7 : memref<64x512xf32, #tpu.memory_space<vmem>>) target(%dma_start3A_406 : memref<64x512xf32, #tpu.memory_space<hbm>>) target_semaphore(%run_scoped3A : memref<!tpu.dma_semaphore, #tpu.memory_space<semaphore_mem>>)
      %dma_wait3A_407 = arith.constant 0 : i32
      %dma_wait3A_408 = tpu.memref_slice %arg4[%add3A_335, %dma_wait3A_407] : memref<16384x512xf32, #tpu.memory_space<hbm>> -> memref<64x512xf32, #tpu.memory_space<hbm>>
      %dma_wait3A_409 = arith.constant 0 : i32
      %dma_wait3A_410 = tpu.memref_slice %arg4[%add3A_335, %dma_wait3A_409] : memref<16384x512xf32, #tpu.memory_space<hbm>> -> memref<64x512xf32, #tpu.memory_space<hbm>>
      tpu.wait_dma2 semaphore(%run_scoped3A : memref<!tpu.dma_semaphore, #tpu.memory_space<semaphore_mem>>) src(%arg7 : memref<64x512xf32, #tpu.memory_space<vmem>>) dst(%dma_wait3A_410 : memref<64x512xf32, #tpu.memory_space<hbm>>)
      tpu.yield
    }) : () -> ()
    %dma_start3A_336 = arith.constant 192 : i32
    %dma_start3A_337 = tpu.memref_slice %arg5[%dma_start3A_336] : memref<512xi32, #tpu.memory_space<vmem>> -> memref<64xi32, #tpu.memory_space<vmem>>
    %dma_start3A_338 = arith.constant 0 : i32
    %dma_start3A_339 = arith.constant 0 : i32
    %dma_start3A_340 = tpu.memref_slice %arg2[%dma_start3A_338, %dma_start3A_339] : memref<65536x512xf32, #tpu.memory_space<hbm>> -> memref<65536x512xf32, #tpu.memory_space<hbm>>
    tpu.enqueue_indirect_dma source(%dma_start3A_340 : memref<65536x512xf32, #tpu.memory_space<hbm>>) target(%arg7 : memref<64x512xf32, #tpu.memory_space<vmem>>) offsets(%dma_start3A_337 : memref<64xi32, #tpu.memory_space<vmem>>) semaphore(%arg9 : memref<!tpu.dma_semaphore, #tpu.memory_space<semaphore_mem>>)
    %dma_wait3A_341 = arith.constant 128 : i32
    %dma_wait3A_342 = tpu.memref_slice %arg5[%dma_wait3A_341] : memref<512xi32, #tpu.memory_space<vmem>> -> memref<64xi32, #tpu.memory_space<vmem>>
    %dma_wait3A_343 = arith.constant 0 : i32
    %dma_wait3A_344 = arith.constant 0 : i32
    %dma_wait3A_345 = tpu.memref_slice %arg2[%dma_wait3A_343, %dma_wait3A_344] : memref<65536x512xf32, #tpu.memory_space<hbm>> -> memref<65536x512xf32, #tpu.memory_space<hbm>>
    tpu.wait_indirect_dma semaphore(%arg8 : memref<!tpu.dma_semaphore, #tpu.memory_space<semaphore_mem>>) src(%dma_wait3A_345 : memref<65536x512xf32, #tpu.memory_space<hbm>>) dst(%arg6 : memref<64x512xf32, #tpu.memory_space<vmem>>)
    %add3A_346 = arith.constant 128 : i32
    %add3A_347 = arith.addi %mul3A_2, %add3A_346 : i32
    "tpu.region"() ({
      %run_scoped3A = tpu.sem_alloc : memref<!tpu.dma_semaphore, #tpu.memory_space<semaphore_mem>>
      %dma_start3A_403 = arith.constant 0 : i32
      %dma_start3A_404 = tpu.memref_slice %arg4[%add3A_347, %dma_start3A_403] : memref<16384x512xf32, #tpu.memory_space<hbm>> -> memref<64x512xf32, #tpu.memory_space<hbm>>
      %dma_start3A_405 = arith.constant 0 : i32
      %dma_start3A_406 = tpu.memref_slice %arg4[%add3A_347, %dma_start3A_405] : memref<16384x512xf32, #tpu.memory_space<hbm>> -> memref<64x512xf32, #tpu.memory_space<hbm>>
      tpu.enqueue_dma source(%arg6 : memref<64x512xf32, #tpu.memory_space<vmem>>) target(%dma_start3A_406 : memref<64x512xf32, #tpu.memory_space<hbm>>) target_semaphore(%run_scoped3A : memref<!tpu.dma_semaphore, #tpu.memory_space<semaphore_mem>>)
      %dma_wait3A_407 = arith.constant 0 : i32
      %dma_wait3A_408 = tpu.memref_slice %arg4[%add3A_347, %dma_wait3A_407] : memref<16384x512xf32, #tpu.memory_space<hbm>> -> memref<64x512xf32, #tpu.memory_space<hbm>>
      %dma_wait3A_409 = arith.constant 0 : i32
      %dma_wait3A_410 = tpu.memref_slice %arg4[%add3A_347, %dma_wait3A_409] : memref<16384x512xf32, #tpu.memory_space<hbm>> -> memref<64x512xf32, #tpu.memory_space<hbm>>
      tpu.wait_dma2 semaphore(%run_scoped3A : memref<!tpu.dma_semaphore, #tpu.memory_space<semaphore_mem>>) src(%arg6 : memref<64x512xf32, #tpu.memory_space<vmem>>) dst(%dma_wait3A_410 : memref<64x512xf32, #tpu.memory_space<hbm>>)
      tpu.yield
    }) : () -> ()
    %dma_start3A_348 = arith.constant 256 : i32
    %dma_start3A_349 = tpu.memref_slice %arg5[%dma_start3A_348] : memref<512xi32, #tpu.memory_space<vmem>> -> memref<64xi32, #tpu.memory_space<vmem>>
    %dma_start3A_350 = arith.constant 0 : i32
    %dma_start3A_351 = arith.constant 0 : i32
    %dma_start3A_352 = tpu.memref_slice %arg2[%dma_start3A_350, %dma_start3A_351] : memref<65536x512xf32, #tpu.memory_space<hbm>> -> memref<65536x512xf32, #tpu.memory_space<hbm>>
    tpu.enqueue_indirect_dma source(%dma_start3A_352 : memref<65536x512xf32, #tpu.memory_space<hbm>>) target(%arg6 : memref<64x512xf32, #tpu.memory_space<vmem>>) offsets(%dma_start3A_349 : memref<64xi32, #tpu.memory_space<vmem>>) semaphore(%arg8 : memref<!tpu.dma_semaphore, #tpu.memory_space<semaphore_mem>>)
    %dma_wait3A_353 = arith.constant 192 : i32
    %dma_wait3A_354 = tpu.memref_slice %arg5[%dma_wait3A_353] : memref<512xi32, #tpu.memory_space<vmem>> -> memref<64xi32, #tpu.memory_space<vmem>>
    %dma_wait3A_355 = arith.constant 0 : i32
    %dma_wait3A_356 = arith.constant 0 : i32
    %dma_wait3A_357 = tpu.memref_slice %arg2[%dma_wait3A_355, %dma_wait3A_356] : memref<65536x512xf32, #tpu.memory_space<hbm>> -> memref<65536x512xf32, #tpu.memory_space<hbm>>
    tpu.wait_indirect_dma semaphore(%arg9 : memref<!tpu.dma_semaphore, #tpu.memory_space<semaphore_mem>>) src(%dma_wait3A_357 : memref<65536x512xf32, #tpu.memory_space<hbm>>) dst(%arg7 : memref<64x512xf32, #tpu.memory_space<vmem>>)
    %add3A_358 = arith.constant 192 : i32
    %add3A_359 = arith.addi %mul3A_2, %add3A_358 : i32
    "tpu.region"() ({
      %run_scoped3A = tpu.sem_alloc : memref<!tpu.dma_semaphore, #tpu.memory_space<semaphore_mem>>
      %dma_start3A_403 = arith.constant 0 : i32
      %dma_start3A_404 = tpu.memref_slice %arg4[%add3A_359, %dma_start3A_403] : memref<16384x512xf32, #tpu.memory_space<hbm>> -> memref<64x512xf32, #tpu.memory_space<hbm>>
      %dma_start3A_405 = arith.constant 0 : i32
      %dma_start3A_406 = tpu.memref_slice %arg4[%add3A_359, %dma_start3A_405] : memref<16384x512xf32, #tpu.memory_space<hbm>> -> memref<64x512xf32, #tpu.memory_space<hbm>>
      tpu.enqueue_dma source(%arg7 : memref<64x512xf32, #tpu.memory_space<vmem>>) target(%dma_start3A_406 : memref<64x512xf32, #tpu.memory_space<hbm>>) target_semaphore(%run_scoped3A : memref<!tpu.dma_semaphore, #tpu.memory_space<semaphore_mem>>)
      %dma_wait3A_407 = arith.constant 0 : i32
      %dma_wait3A_408 = tpu.memref_slice %arg4[%add3A_359, %dma_wait3A_407] : memref<16384x512xf32, #tpu.memory_space<hbm>> -> memref<64x512xf32, #tpu.memory_space<hbm>>
      %dma_wait3A_409 = arith.constant 0 : i32
      %dma_wait3A_410 = tpu.memref_slice %arg4[%add3A_359, %dma_wait3A_409] : memref<16384x512xf32, #tpu.memory_space<hbm>> -> memref<64x512xf32, #tpu.memory_space<hbm>>
      tpu.wait_dma2 semaphore(%run_scoped3A : memref<!tpu.dma_semaphore, #tpu.memory_space<semaphore_mem>>) src(%arg7 : memref<64x512xf32, #tpu.memory_space<vmem>>) dst(%dma_wait3A_410 : memref<64x512xf32, #tpu.memory_space<hbm>>)
      tpu.yield
    }) : () -> ()
    %dma_start3A_360 = arith.constant 320 : i32
    %dma_start3A_361 = tpu.memref_slice %arg5[%dma_start3A_360] : memref<512xi32, #tpu.memory_space<vmem>> -> memref<64xi32, #tpu.memory_space<vmem>>
    %dma_start3A_362 = arith.constant 0 : i32
    %dma_start3A_363 = arith.constant 0 : i32
    %dma_start3A_364 = tpu.memref_slice %arg2[%dma_start3A_362, %dma_start3A_363] : memref<65536x512xf32, #tpu.memory_space<hbm>> -> memref<65536x512xf32, #tpu.memory_space<hbm>>
    tpu.enqueue_indirect_dma source(%dma_start3A_364 : memref<65536x512xf32, #tpu.memory_space<hbm>>) target(%arg7 : memref<64x512xf32, #tpu.memory_space<vmem>>) offsets(%dma_start3A_361 : memref<64xi32, #tpu.memory_space<vmem>>) semaphore(%arg9 : memref<!tpu.dma_semaphore, #tpu.memory_space<semaphore_mem>>)
    %dma_wait3A_365 = arith.constant 256 : i32
    %dma_wait3A_366 = tpu.memref_slice %arg5[%dma_wait3A_365] : memref<512xi32, #tpu.memory_space<vmem>> -> memref<64xi32, #tpu.memory_space<vmem>>
    %dma_wait3A_367 = arith.constant 0 : i32
    %dma_wait3A_368 = arith.constant 0 : i32
    %dma_wait3A_369 = tpu.memref_slice %arg2[%dma_wait3A_367, %dma_wait3A_368] : memref<65536x512xf32, #tpu.memory_space<hbm>> -> memref<65536x512xf32, #tpu.memory_space<hbm>>
    tpu.wait_indirect_dma semaphore(%arg8 : memref<!tpu.dma_semaphore, #tpu.memory_space<semaphore_mem>>) src(%dma_wait3A_369 : memref<65536x512xf32, #tpu.memory_space<hbm>>) dst(%arg6 : memref<64x512xf32, #tpu.memory_space<vmem>>)
    %add3A_370 = arith.constant 256 : i32
    %add3A_371 = arith.addi %mul3A_2, %add3A_370 : i32
    "tpu.region"() ({
      %run_scoped3A = tpu.sem_alloc : memref<!tpu.dma_semaphore, #tpu.memory_space<semaphore_mem>>
      %dma_start3A_403 = arith.constant 0 : i32
      %dma_start3A_404 = tpu.memref_slice %arg4[%add3A_371, %dma_start3A_403] : memref<16384x512xf32, #tpu.memory_space<hbm>> -> memref<64x512xf32, #tpu.memory_space<hbm>>
      %dma_start3A_405 = arith.constant 0 : i32
      %dma_start3A_406 = tpu.memref_slice %arg4[%add3A_371, %dma_start3A_405] : memref<16384x512xf32, #tpu.memory_space<hbm>> -> memref<64x512xf32, #tpu.memory_space<hbm>>
      tpu.enqueue_dma source(%arg6 : memref<64x512xf32, #tpu.memory_space<vmem>>) target(%dma_start3A_406 : memref<64x512xf32, #tpu.memory_space<hbm>>) target_semaphore(%run_scoped3A : memref<!tpu.dma_semaphore, #tpu.memory_space<semaphore_mem>>)
      %dma_wait3A_407 = arith.constant 0 : i32
      %dma_wait3A_408 = tpu.memref_slice %arg4[%add3A_371, %dma_wait3A_407] : memref<16384x512xf32, #tpu.memory_space<hbm>> -> memref<64x512xf32, #tpu.memory_space<hbm>>
      %dma_wait3A_409 = arith.constant 0 : i32
      %dma_wait3A_410 = tpu.memref_slice %arg4[%add3A_371, %dma_wait3A_409] : memref<16384x512xf32, #tpu.memory_space<hbm>> -> memref<64x512xf32, #tpu.memory_space<hbm>>
      tpu.wait_dma2 semaphore(%run_scoped3A : memref<!tpu.dma_semaphore, #tpu.memory_space<semaphore_mem>>) src(%arg6 : memref<64x512xf32, #tpu.memory_space<vmem>>) dst(%dma_wait3A_410 : memref<64x512xf32, #tpu.memory_space<hbm>>)
      tpu.yield
    }) : () -> ()
    %dma_start3A_372 = arith.constant 384 : i32
    %dma_start3A_373 = tpu.memref_slice %arg5[%dma_start3A_372] : memref<512xi32, #tpu.memory_space<vmem>> -> memref<64xi32, #tpu.memory_space<vmem>>
    %dma_start3A_374 = arith.constant 0 : i32
    %dma_start3A_375 = arith.constant 0 : i32
    %dma_start3A_376 = tpu.memref_slice %arg2[%dma_start3A_374, %dma_start3A_375] : memref<65536x512xf32, #tpu.memory_space<hbm>> -> memref<65536x512xf32, #tpu.memory_space<hbm>>
    tpu.enqueue_indirect_dma source(%dma_start3A_376 : memref<65536x512xf32, #tpu.memory_space<hbm>>) target(%arg6 : memref<64x512xf32, #tpu.memory_space<vmem>>) offsets(%dma_start3A_373 : memref<64xi32, #tpu.memory_space<vmem>>) semaphore(%arg8 : memref<!tpu.dma_semaphore, #tpu.memory_space<semaphore_mem>>)
    %dma_wait3A_377 = arith.constant 320 : i32
    %dma_wait3A_378 = tpu.memref_slice %arg5[%dma_wait3A_377] : memref<512xi32, #tpu.memory_space<vmem>> -> memref<64xi32, #tpu.memory_space<vmem>>
    %dma_wait3A_379 = arith.constant 0 : i32
    %dma_wait3A_380 = arith.constant 0 : i32
    %dma_wait3A_381 = tpu.memref_slice %arg2[%dma_wait3A_379, %dma_wait3A_380] : memref<65536x512xf32, #tpu.memory_space<hbm>> -> memref<65536x512xf32, #tpu.memory_space<hbm>>
    tpu.wait_indirect_dma semaphore(%arg9 : memref<!tpu.dma_semaphore, #tpu.memory_space<semaphore_mem>>) src(%dma_wait3A_381 : memref<65536x512xf32, #tpu.memory_space<hbm>>) dst(%arg7 : memref<64x512xf32, #tpu.memory_space<vmem>>)
    %add3A_382 = arith.constant 320 : i32
    %add3A_383 = arith.addi %mul3A_2, %add3A_382 : i32
    "tpu.region"() ({
      %run_scoped3A = tpu.sem_alloc : memref<!tpu.dma_semaphore, #tpu.memory_space<semaphore_mem>>
      %dma_start3A_403 = arith.constant 0 : i32
      %dma_start3A_404 = tpu.memref_slice %arg4[%add3A_383, %dma_start3A_403] : memref<16384x512xf32, #tpu.memory_space<hbm>> -> memref<64x512xf32, #tpu.memory_space<hbm>>
      %dma_start3A_405 = arith.constant 0 : i32
      %dma_start3A_406 = tpu.memref_slice %arg4[%add3A_383, %dma_start3A_405] : memref<16384x512xf32, #tpu.memory_space<hbm>> -> memref<64x512xf32, #tpu.memory_space<hbm>>
      tpu.enqueue_dma source(%arg7 : memref<64x512xf32, #tpu.memory_space<vmem>>) target(%dma_start3A_406 : memref<64x512xf32, #tpu.memory_space<hbm>>) target_semaphore(%run_scoped3A : memref<!tpu.dma_semaphore, #tpu.memory_space<semaphore_mem>>)
      %dma_wait3A_407 = arith.constant 0 : i32
      %dma_wait3A_408 = tpu.memref_slice %arg4[%add3A_383, %dma_wait3A_407] : memref<16384x512xf32, #tpu.memory_space<hbm>> -> memref<64x512xf32, #tpu.memory_space<hbm>>
      %dma_wait3A_409 = arith.constant 0 : i32
      %dma_wait3A_410 = tpu.memref_slice %arg4[%add3A_383, %dma_wait3A_409] : memref<16384x512xf32, #tpu.memory_space<hbm>> -> memref<64x512xf32, #tpu.memory_space<hbm>>
      tpu.wait_dma2 semaphore(%run_scoped3A : memref<!tpu.dma_semaphore, #tpu.memory_space<semaphore_mem>>) src(%arg7 : memref<64x512xf32, #tpu.memory_space<vmem>>) dst(%dma_wait3A_410 : memref<64x512xf32, #tpu.memory_space<hbm>>)
      tpu.yield
    }) : () -> ()
    %dma_start3A_384 = arith.constant 448 : i32
    %dma_start3A_385 = tpu.memref_slice %arg5[%dma_start3A_384] : memref<512xi32, #tpu.memory_space<vmem>> -> memref<64xi32, #tpu.memory_space<vmem>>
    %dma_start3A_386 = arith.constant 0 : i32
    %dma_start3A_387 = arith.constant 0 : i32
    %dma_start3A_388 = tpu.memref_slice %arg2[%dma_start3A_386, %dma_start3A_387] : memref<65536x512xf32, #tpu.memory_space<hbm>> -> memref<65536x512xf32, #tpu.memory_space<hbm>>
    tpu.enqueue_indirect_dma source(%dma_start3A_388 : memref<65536x512xf32, #tpu.memory_space<hbm>>) target(%arg7 : memref<64x512xf32, #tpu.memory_space<vmem>>) offsets(%dma_start3A_385 : memref<64xi32, #tpu.memory_space<vmem>>) semaphore(%arg9 : memref<!tpu.dma_semaphore, #tpu.memory_space<semaphore_mem>>)
    %dma_wait3A_389 = arith.constant 384 : i32
    %dma_wait3A_390 = tpu.memref_slice %arg5[%dma_wait3A_389] : memref<512xi32, #tpu.memory_space<vmem>> -> memref<64xi32, #tpu.memory_space<vmem>>
    %dma_wait3A_391 = arith.constant 0 : i32
    %dma_wait3A_392 = arith.constant 0 : i32
    %dma_wait3A_393 = tpu.memref_slice %arg2[%dma_wait3A_391, %dma_wait3A_392] : memref<65536x512xf32, #tpu.memory_space<hbm>> -> memref<65536x512xf32, #tpu.memory_space<hbm>>
    tpu.wait_indirect_dma semaphore(%arg8 : memref<!tpu.dma_semaphore, #tpu.memory_space<semaphore_mem>>) src(%dma_wait3A_393 : memref<65536x512xf32, #tpu.memory_space<hbm>>) dst(%arg6 : memref<64x512xf32, #tpu.memory_space<vmem>>)
    %add3A_394 = arith.constant 384 : i32
    %add3A_395 = arith.addi %mul3A_2, %add3A_394 : i32
    "tpu.region"() ({
      %run_scoped3A = tpu.sem_alloc : memref<!tpu.dma_semaphore, #tpu.memory_space<semaphore_mem>>
      %dma_start3A_403 = arith.constant 0 : i32
      %dma_start3A_404 = tpu.memref_slice %arg4[%add3A_395, %dma_start3A_403] : memref<16384x512xf32, #tpu.memory_space<hbm>> -> memref<64x512xf32, #tpu.memory_space<hbm>>
      %dma_start3A_405 = arith.constant 0 : i32
      %dma_start3A_406 = tpu.memref_slice %arg4[%add3A_395, %dma_start3A_405] : memref<16384x512xf32, #tpu.memory_space<hbm>> -> memref<64x512xf32, #tpu.memory_space<hbm>>
      tpu.enqueue_dma source(%arg6 : memref<64x512xf32, #tpu.memory_space<vmem>>) target(%dma_start3A_406 : memref<64x512xf32, #tpu.memory_space<hbm>>) target_semaphore(%run_scoped3A : memref<!tpu.dma_semaphore, #tpu.memory_space<semaphore_mem>>)
      %dma_wait3A_407 = arith.constant 0 : i32
      %dma_wait3A_408 = tpu.memref_slice %arg4[%add3A_395, %dma_wait3A_407] : memref<16384x512xf32, #tpu.memory_space<hbm>> -> memref<64x512xf32, #tpu.memory_space<hbm>>
      %dma_wait3A_409 = arith.constant 0 : i32
      %dma_wait3A_410 = tpu.memref_slice %arg4[%add3A_395, %dma_wait3A_409] : memref<16384x512xf32, #tpu.memory_space<hbm>> -> memref<64x512xf32, #tpu.memory_space<hbm>>
      tpu.wait_dma2 semaphore(%run_scoped3A : memref<!tpu.dma_semaphore, #tpu.memory_space<semaphore_mem>>) src(%arg6 : memref<64x512xf32, #tpu.memory_space<vmem>>) dst(%dma_wait3A_410 : memref<64x512xf32, #tpu.memory_space<hbm>>)
      tpu.yield
    }) : () -> ()
    %dma_wait3A_396 = arith.constant 448 : i32
    %dma_wait3A_397 = tpu.memref_slice %arg5[%dma_wait3A_396] : memref<512xi32, #tpu.memory_space<vmem>> -> memref<64xi32, #tpu.memory_space<vmem>>
    %dma_wait3A_398 = arith.constant 0 : i32
    %dma_wait3A_399 = arith.constant 0 : i32
    %dma_wait3A_400 = tpu.memref_slice %arg2[%dma_wait3A_398, %dma_wait3A_399] : memref<65536x512xf32, #tpu.memory_space<hbm>> -> memref<65536x512xf32, #tpu.memory_space<hbm>>
    tpu.wait_indirect_dma semaphore(%arg9 : memref<!tpu.dma_semaphore, #tpu.memory_space<semaphore_mem>>) src(%dma_wait3A_400 : memref<65536x512xf32, #tpu.memory_space<hbm>>) dst(%arg7 : memref<64x512xf32, #tpu.memory_space<vmem>>)
    %add3A_401 = arith.constant 448 : i32
    %add3A_402 = arith.addi %mul3A_2, %add3A_401 : i32
    "tpu.region"() ({
      %run_scoped3A = tpu.sem_alloc : memref<!tpu.dma_semaphore, #tpu.memory_space<semaphore_mem>>
      %dma_start3A_403 = arith.constant 0 : i32
      %dma_start3A_404 = tpu.memref_slice %arg4[%add3A_402, %dma_start3A_403] : memref<16384x512xf32, #tpu.memory_space<hbm>> -> memref<64x512xf32, #tpu.memory_space<hbm>>
      %dma_start3A_405 = arith.constant 0 : i32
      %dma_start3A_406 = tpu.memref_slice %arg4[%add3A_402, %dma_start3A_405] : memref<16384x512xf32, #tpu.memory_space<hbm>> -> memref<64x512xf32, #tpu.memory_space<hbm>>
      tpu.enqueue_dma source(%arg7 : memref<64x512xf32, #tpu.memory_space<vmem>>) target(%dma_start3A_406 : memref<64x512xf32, #tpu.memory_space<hbm>>) target_semaphore(%run_scoped3A : memref<!tpu.dma_semaphore, #tpu.memory_space<semaphore_mem>>)
      %dma_wait3A_407 = arith.constant 0 : i32
      %dma_wait3A_408 = tpu.memref_slice %arg4[%add3A_402, %dma_wait3A_407] : memref<16384x512xf32, #tpu.memory_space<hbm>> -> memref<64x512xf32, #tpu.memory_space<hbm>>
      %dma_wait3A_409 = arith.constant 0 : i32
      %dma_wait3A_410 = tpu.memref_slice %arg4[%add3A_402, %dma_wait3A_409] : memref<16384x512xf32, #tpu.memory_space<hbm>> -> memref<64x512xf32, #tpu.memory_space<hbm>>
      tpu.wait_dma2 semaphore(%run_scoped3A : memref<!tpu.dma_semaphore, #tpu.memory_space<semaphore_mem>>) src(%arg7 : memref<64x512xf32, #tpu.memory_space<vmem>>) dst(%dma_wait3A_410 : memref<64x512xf32, #tpu.memory_space<hbm>>)
      tpu.yield
    }) : () -> ()
    return
  }
}

module attributes {stable_mosaic.version = 14 : i64} {
  func.func @_classify_body(%arg0: i32, %arg1: memref<4096x512xf32, #tpu.memory_space<vmem>>, %arg2: memref<512x128xf32, #tpu.memory_space<vmem>>, %arg3: memref<1x128xf32, #tpu.memory_space<vmem>>, %arg4: memref<128x128xf32, #tpu.memory_space<vmem>>, %arg5: memref<4096x1xi32, #tpu.memory_space<vmem>>, %arg6: memref<1x1xf32, #tpu.memory_space<vmem>>, %arg7: memref<4096x1xi32, #tpu.memory_space<vmem>>) attributes {dimension_semantics = [#tpu.dimension_semantics<arbitrary>], iteration_bounds = array<i64: 4>, scalar_prefetch = 0 : i64, scratch_operands = 0 : i64, tpu.core_type = #tpu.core_type<tc>, window_params = [{transform_indices = @transform_0, window_bounds = array<i64: 4096, 512>}, {pipeline_mode = #tpu.pipeline_mode<synchronous>, transform_indices = @transform_1, window_bounds = array<i64: 512, 128>}, {pipeline_mode = #tpu.pipeline_mode<synchronous>, transform_indices = @transform_2, window_bounds = array<i64: 1, 128>}, {pipeline_mode = #tpu.pipeline_mode<synchronous>, transform_indices = @transform_3, window_bounds = array<i64: 128, 128>}, {transform_indices = @transform_4, window_bounds = array<i64: 4096, 1>}, {pipeline_mode = #tpu.pipeline_mode<synchronous>, transform_indices = @transform_5, window_bounds = array<i64: 1, 1>}, {transform_indices = @transform_6, window_bounds = array<i64: 4096, 1>}]} {
    %get3A = arith.constant 0 : index
    %get3A_0 = arith.constant 0 : index
    %get3A_1 = vector.load %arg1[%get3A, %get3A_0] : memref<4096x512xf32, #tpu.memory_space<vmem>>, vector<4096x512xf32>
    %get3A_2 = arith.constant 0 : index
    %get3A_3 = arith.constant 0 : index
    %get3A_4 = vector.load %arg2[%get3A_2, %get3A_3] : memref<512x128xf32, #tpu.memory_space<vmem>>, vector<512x128xf32>
    %dot_general3A = arith.constant dense<0.000000e+00> : vector<4096x128xf32>
    %dot_general3A_5 = tpu.matmul %get3A_1, %get3A_4, %dot_general3A {dimension_numbers = #tpu.dot_dimension_numbers<[1], [0], [0], [1], [0, 0, 1, 1], [], []>, transpose_lhs_hint = false} : vector<4096x512xf32>, vector<512x128xf32>, vector<4096x128xf32> -> vector<4096x128xf32>
    %get3A_6 = arith.constant 0 : index
    %get3A_7 = arith.constant 0 : index
    %get3A_8 = vector.load %arg3[%get3A_6, %get3A_7] : memref<1x128xf32, #tpu.memory_space<vmem>>, vector<1x128xf32>
    %add3A = vector.broadcast %get3A_8 : vector<1x128xf32> to vector<4096x128xf32>
    %add3A_9 = arith.addf %dot_general3A_5, %add3A : vector<4096x128xf32>
    %iota3A = tpu.iota {dimensions = array<i32: 1>} : vector<4096x128xi32>
    %reduce_max3A = arith.constant dense<0xFF800000> : vector<4096xf32>
    %reduce_max3A_10 = vector.multi_reduction <maximumf>, %add3A_9, %reduce_max3A [1] : vector<4096x128xf32> to vector<4096xf32>
    %broadcast_in_dim3A = vector.shape_cast %reduce_max3A_10 : vector<4096xf32> to vector<4096x1xf32>
    %sub3A = vector.broadcast %broadcast_in_dim3A : vector<4096x1xf32> to vector<4096x128xf32>
    %sub3A_11 = arith.subf %add3A_9, %sub3A : vector<4096x128xf32>
    %exp3A = math.exp %sub3A_11 : vector<4096x128xf32>
    %ge3A = vector.broadcast %broadcast_in_dim3A : vector<4096x1xf32> to vector<4096x128xf32>
    %ge3A_12 = arith.cmpf oge, %add3A_9, %ge3A : vector<4096x128xf32>
    %convert_element_type3A = arith.extui %ge3A_12 : vector<4096x128xi1> to vector<4096x128xi32>
    %convert_element_type3A_13 = arith.sitofp %convert_element_type3A : vector<4096x128xi32> to vector<4096x128xf32>
    %get3A_14 = arith.constant 0 : index
    %get3A_15 = arith.constant 0 : index
    %get3A_16 = vector.load %arg5[%get3A_14, %get3A_15] : memref<4096x1xi32, #tpu.memory_space<vmem>>, vector<4096x1xi32>
    %eq3A = vector.broadcast %get3A_16 : vector<4096x1xi32> to vector<4096x128xi32>
    %eq3A_17 = arith.cmpi eq, %iota3A, %eq3A : vector<4096x128xi32>
    %jit3A = arith.constant 0.000000e+00 : f32
    %broadcast_in_dim3A_18 = vector.broadcast %jit3A : f32 to vector<4096x128xf32>
    %select_n3A = arith.select %eq3A_17, %add3A_9, %broadcast_in_dim3A_18 : vector<4096x128xi1>, vector<4096x128xf32>
    %get3A_19 = arith.constant 0 : index
    %get3A_20 = arith.constant 0 : index
    %get3A_21 = vector.load %arg4[%get3A_19, %get3A_20] : memref<128x128xf32, #tpu.memory_space<vmem>>, vector<128x128xf32>
    %dot_general3A_22 = arith.constant dense<0.000000e+00> : vector<4096x128xf32>
    %dot_general3A_23 = tpu.matmul %exp3A, %get3A_21, %dot_general3A_22 {dimension_numbers = #tpu.dot_dimension_numbers<[1], [0], [0], [1], [0, 0, 1, 1], [], []>, transpose_lhs_hint = false} : vector<4096x128xf32>, vector<128x128xf32>, vector<4096x128xf32> -> vector<4096x128xf32>
    %get3A_24 = arith.constant 0 : index
    %get3A_25 = arith.constant 0 : index
    %get3A_26 = vector.load %arg4[%get3A_24, %get3A_25] : memref<128x128xf32, #tpu.memory_space<vmem>>, vector<128x128xf32>
    %dot_general3A_27 = arith.constant dense<0.000000e+00> : vector<4096x128xf32>
    %dot_general3A_28 = tpu.matmul %convert_element_type3A_13, %get3A_26, %dot_general3A_27 {dimension_numbers = #tpu.dot_dimension_numbers<[1], [0], [0], [1], [0, 0, 1, 1], [], []>, transpose_lhs_hint = false} : vector<4096x128xf32>, vector<128x128xf32>, vector<4096x128xf32> -> vector<4096x128xf32>
    %get3A_29 = arith.constant 0 : index
    %get3A_30 = arith.constant 0 : index
    %get3A_31 = vector.load %arg4[%get3A_29, %get3A_30] : memref<128x128xf32, #tpu.memory_space<vmem>>, vector<128x128xf32>
    %dot_general3A_32 = arith.constant dense<0.000000e+00> : vector<4096x128xf32>
    %dot_general3A_33 = tpu.matmul %select_n3A, %get3A_31, %dot_general3A_32 {dimension_numbers = #tpu.dot_dimension_numbers<[1], [0], [0], [1], [0, 0, 1, 1], [], []>, transpose_lhs_hint = false} : vector<4096x128xf32>, vector<128x128xf32>, vector<4096x128xf32> -> vector<4096x128xf32>
    %slice3A = vector.extract_strided_slice %dot_general3A_23 {offsets = [0, 0], sizes = [4096, 1], strides = [1, 1]} : vector<4096x128xf32> to vector<4096x1xf32>
    %log3A = math.log %slice3A : vector<4096x1xf32>
    %add3A_34 = arith.addf %broadcast_in_dim3A, %log3A : vector<4096x1xf32>
    %slice3A_35 = vector.extract_strided_slice %dot_general3A_33 {offsets = [0, 0], sizes = [4096, 1], strides = [1, 1]} : vector<4096x128xf32> to vector<4096x1xf32>
    %slice3A_36 = vector.extract_strided_slice %dot_general3A_28 {offsets = [0, 1], sizes = [4096, 1], strides = [1, 1]} : vector<4096x128xf32> to vector<4096x1xf32>
    %bitcast_convert_type3A = tpu.bitcast %slice3A_36 : vector<4096x1xf32> -> vector<4096x1xi32>
    %shift_right_logical3A = arith.constant 23 : i32
    %shift_right_logical3A_37 = vector.broadcast %shift_right_logical3A : i32 to vector<4096x1xi32>
    %shift_right_logical3A_38 = arith.shrui %bitcast_convert_type3A, %shift_right_logical3A_37 : vector<4096x1xi32>
    %sub3A_39 = arith.constant 127 : i32
    %sub3A_40 = vector.broadcast %sub3A_39 : i32 to vector<4096x1xi32>
    %sub3A_41 = arith.subi %sub3A_40, %shift_right_logical3A_38 : vector<4096x1xi32>
    %div3A = arith.constant 2 : i32
    %div3A_42 = vector.broadcast %div3A : i32 to vector<4096x1xi32>
    %div3A_43 = arith.divsi %sub3A_41, %div3A_42 : vector<4096x1xi32>
    %swap3A = arith.constant 0 : index
    %swap3A_44 = arith.constant 0 : index
    %swap3A_45 = vector.load %arg7[%swap3A, %swap3A_44] : memref<4096x1xi32, #tpu.memory_space<vmem>>, vector<4096x1xi32>
    tpu.vector_store %arg7[%swap3A, %swap3A_44], %div3A_43 {strides = array<i32>} : memref<4096x1xi32, #tpu.memory_space<vmem>>, vector<4096x1xi32>,
    %eq3A_46 = arith.constant 0 : i32
    %eq3A_47 = arith.cmpi eq, %arg0, %eq3A_46 : i32
    %convert_element_type3A_48 = arith.extui %eq3A_47 : i1 to i32
    %cond3A = arith.constant 0 : i32
    %cond3A_49 = arith.cmpi ne, %convert_element_type3A_48, %cond3A : i32
    scf.if %cond3A_49 {
      %broadcast_in_dim3A_63 = arith.constant 0.000000e+00 : f32
      %broadcast_in_dim3A_64 = vector.broadcast %broadcast_in_dim3A_63 : f32 to vector<1x1xf32>
      %swap3A_65 = arith.constant 0 : index
      %swap3A_66 = arith.constant 0 : index
      %swap3A_67 = vector.load %arg6[%swap3A_65, %swap3A_66] : memref<1x1xf32, #tpu.memory_space<vmem>>, vector<1x1xf32>
      tpu.vector_store %arg6[%swap3A_65, %swap3A_66], %broadcast_in_dim3A_64 {strides = array<i32>} : memref<1x1xf32, #tpu.memory_space<vmem>>, vector<1x1xf32>,
    } else {
    }
    %get3A_50 = arith.constant 0 : index
    %get3A_51 = arith.constant 0 : index
    %get3A_52 = vector.load %arg6[%get3A_50, %get3A_51] : memref<1x1xf32, #tpu.memory_space<vmem>>, vector<1x1xf32>
    %sub3A_53 = arith.subf %add3A_34, %slice3A_35 : vector<4096x1xf32>
    %reduce_sum3A = vector.shape_cast %sub3A_53 : vector<4096x1xf32> to vector<1x4096x1xf32>
    %reduce_sum3A_54 = arith.constant dense<0.000000e+00> : vector<1xf32>
    %reduce_sum3A_55 = vector.multi_reduction <add>, %reduce_sum3A, %reduce_sum3A_54 [1, 2] : vector<1x4096x1xf32> to vector<1xf32>
    %reduce_sum3A_56 = vector.shape_cast %reduce_sum3A_55 : vector<1xf32> to vector<1x1x1xf32>
    %reduce_sum3A_57 = vector.extract %reduce_sum3A_56[0, 0, 0] : f32 from vector<1x1x1xf32>
    %broadcast_in_dim3A_58 = vector.broadcast %reduce_sum3A_57 : f32 to vector<1x1xf32>
    %add3A_59 = arith.addf %get3A_52, %broadcast_in_dim3A_58 : vector<1x1xf32>
    %swap3A_60 = arith.constant 0 : index
    %swap3A_61 = arith.constant 0 : index
    %swap3A_62 = vector.load %arg6[%swap3A_60, %swap3A_61] : memref<1x1xf32, #tpu.memory_space<vmem>>, vector<1x1xf32>
    tpu.vector_store %arg6[%swap3A_60, %swap3A_61], %add3A_59 {strides = array<i32>} : memref<1x1xf32, #tpu.memory_space<vmem>>, vector<1x1xf32>,
    return
  }
  func.func @transform_0(%arg0: i32) -> (i32, i32) {
    %c0_i32 = arith.constant 0 : i32
    %c0_i32_0 = arith.constant 0 : i32
    return %arg0, %c0_i32 : i32, i32
  }
  func.func @transform_1(%arg0: i32) -> (i32, i32) {
    %c0_i32 = arith.constant 0 : i32
    %c0_i32_0 = arith.constant 0 : i32
    %c0_i32_1 = arith.constant 0 : i32
    return %c0_i32, %c0_i32_0 : i32, i32
  }
  func.func @transform_2(%arg0: i32) -> (i32, i32) {
    %c0_i32 = arith.constant 0 : i32
    %c0_i32_0 = arith.constant 0 : i32
    %c0_i32_1 = arith.constant 0 : i32
    return %c0_i32, %c0_i32_0 : i32, i32
  }
  func.func @transform_3(%arg0: i32) -> (i32, i32) {
    %c0_i32 = arith.constant 0 : i32
    %c0_i32_0 = arith.constant 0 : i32
    %c0_i32_1 = arith.constant 0 : i32
    return %c0_i32, %c0_i32_0 : i32, i32
  }
  func.func @transform_4(%arg0: i32) -> (i32, i32) {
    %c0_i32 = arith.constant 0 : i32
    %c0_i32_0 = arith.constant 0 : i32
    return %arg0, %c0_i32 : i32, i32
  }
  func.func @transform_5(%arg0: i32) -> (i32, i32) {
    %c0_i32 = arith.constant 0 : i32
    %c0_i32_0 = arith.constant 0 : i32
    %c0_i32_1 = arith.constant 0 : i32
    return %c0_i32, %c0_i32_0 : i32, i32
  }
  func.func @transform_6(%arg0: i32) -> (i32, i32) {
    %c0_i32 = arith.constant 0 : i32
    %c0_i32_0 = arith.constant 0 : i32
    return %arg0, %c0_i32 : i32, i32
  }
}

</mosaic_0001>

<sc_bundles>
// kernel: kernel.5.cloned.1.call-start
scs
__scs_entry_jumppad:
0x0: {  	(pc) =	sbr.rel $0x88, $3  }
0x1: {  	(tag) =	ssettag $0x0;
	lr =	simm.s32 $0x1  }
0x2: {  	[smem:$0x3F9C] =	sst lr;
	_ =	strace $0xD0000000  }
0x3: {  	_ = 	snop  }
0x4: {  	_ = 	snop  }
0x5: {  	_ = 	snop  }
0x6: {  	_ = 	snop  }
0x7: {  	_ = 	snop  }
__scs_overlays_trampoline_lowered:
0x8: {  	[smem:$0x3FAB] =	sst s0  }
0x9: {  	[smem:$0x3FAC] =	sst s1  }
0xa: {  	[smem:$0x3FAD] =	sst s2  }
0xb: {  	[smem:$0x3FAE] =	sst s3  }
0xc: {  	[smem:$0x3FAF] =	sst s4  }
0xd: {  	[smem:$0x3FB0] =	sst s5  }
0xe: {  	[smem:$0x3FB1] =	sst s6  }
0xf: {  	[smem:$0x3FB2] =	sst s7  }
0x10: {  	[smem:$0x3FB3] =	sst s8  }
0x11: {  	[smem:$0x3FB4] =	sst s9;
	s0 =	simm.s32 @!p0 $0x0  }
0x12: {  	s1 =	sld [smem:$0x3F9A];
	s0 =	simm.s32 @p0 $0x1  }
0x13: {  	[smem:$0x3FB5] =	sst s0;
	s0 =	simm.s32 @!p1 $0x0  }
0x14: {  	s2 =	sld [smem:$0x3F99];
	s0 =	simm.s32 @p1 $0x1  }
0x15: {  	[smem:$0x3FB6] =	sst s0;
	s0 =	simm.s32 @!p2 $0x0  }
0x16: {  	s3 =	sld [smem:$0x3FDB];
	s0 =	simm.s32 @p2 $0x1  }
0x17: {  	s4 =	simm.s32 $0x1BF5;
	[smem:$0x3FB8] =	sst s0  }
0x18: {  	s0 =	sld [smem:$0x3F9B];
	_ =	swait.ge [sflag:s4], $0x0  }
0x19: {  	s7 =	sld [smem:$0x3F9C]  }
0x1a: {  	s8 =	sadd.s32 $0xFFFFE003, lr  }
0x1b: {  	s9 =	sadd.s32 $0xFFFFFEF7, lr;
	s5 =	simm.s32 $0xFFFFFFFF;
	p2 =	slt.u32 s8, $0xFFFFF086  }
0x1c: {  	p1 =	slt.u32 s9, $0xF7A;
	s5 =	simm.s32 @!p2 $0x0  }
0x1d: {  	s5 =	simm.s32 @p1 $0x1;
	p0 =	seq.s32 s7, s2  }
0x1e: {  	s7 =	smul.u32 @!p0 $0xF7A, s2;
	p2 =	seq.s32 @!p0 s5, $0x0  }
0x1f: {  	s9 =	smul.u32 $0xF7A, s1;
	s8 =	simm.s32 @!p0 $0x1BF5;
	p2 =	por !p2, p0  }
0x20: {  	[sflag:s8] =	ssyncset.s32 @!p0 $0xFFFFF086;
	s6 =	sadd.s32 @!p0 s3, s7;
	s7 =	simm.s32 @!p0 $0x108  }
0x21: {  	s3 =	sadd.s32 s3, s9;
	s6 =	sadd.s32 @!p0 $0x88, s6;
	s7 =	simm.s32 @p2 $0x1082  }
0x22: {  	[simem:s7], [sflag:s8] =	dma.local @!p0 [hbm:s6], $0xF7A  }
0x23: {  	s9 =	sor.u32 $0xD0000000, s2;
	s6 =	simm.s32 $0x108;
	_ =	swait.ge @!p0 [sflag:s8], $0x0  }
0x24: {  	s3 =	sadd.s32 $0x88, s3;
	s6 =	simm.s32 @!p1 $0x1082;
	[sflag:s4] =	ssyncset.s32 $0xFFFFF086  }
0x25: {  	[simem:s6], [sflag:s4] =	dma.local [hbm:s3], $0xF7A  }
0x26: {  	[smem:$0x3F9C] =	sst s1;
	(tag) =	ssettag s2;
	_ =	strace s9  }
0x27: {  	s1 =	sld [smem:$0x3FAC]  }
0x28: {  	s2 =	sld [smem:$0x3FAD]  }
0x29: {  	s4 =	sld [smem:$0x3FAF]  }
0x2a: {  	p0 =	seq.s32 s5, $0x0;
	s5 =	sld [smem:$0x3FB0]  }
0x2b: {  	s6 =	sld [smem:$0x3FB1]  }
0x2c: {  	s7 =	sld [smem:$0x3FB2]  }
0x2d: {  	s3 =	simm.s32 $0x108;
	s8 =	sld [smem:$0x3FB3]  }
0x2e: {  	s3 =	simm.s32 @!p0 $0x1082;
	s9 =	sld [smem:$0x3FB4]  }
0x2f: {  	lr =	sadd.s32 s0, s3;
	s0 =	sld [smem:$0x3FAB]  }
0x30: {  	s3 =	sld [smem:$0x3FAE]  }
0x31: {  	[smem:$0x3FB7] =	sst s10  }
0x32: {  	s10 =	sld [smem:$0x3FB5];
	_ =	sdelay $0x3  }
0x33: {  	p0 =	seq.s32 s10, $0x1;
	s10 =	sld [smem:$0x3FB7];
	_ =	sdelay $0x3  }
0x34: {  	[smem:$0x3FB7] =	sst s10  }
0x35: {  	s10 =	sld [smem:$0x3FB6];
	_ =	sdelay $0x3  }
0x36: {  	p1 =	seq.s32 s10, $0x1;
	s10 =	sld [smem:$0x3FB7];
	_ =	sdelay $0x3  }
0x37: {  	[smem:$0x3FB7] =	sst s10  }
0x38: {  	s10 =	sld [smem:$0x3FB8]  }
0x39: {  	_ = 	snop;
	(pc) =	sbr.ind lr, $3  }
0x3a: {  	_ = 	snop  }
0x3b: {  	_ = 	snop  }
0x3c: {  	p2 =	seq.s32 s10, $0x1;
	s10 =	sld [smem:$0x3FB7]  }
0x3d: {  	_ =	shalt  }
0x3e: {  	_ =	shalt  }
0x3f: {  	_ =	shalt  }
0x40: {  	_ =	shalt  }
0x41: {  	_ =	shalt  }
0x42: {  	_ =	shalt  }
0x43: {  	_ =	shalt  }
0x44: {  	_ =	shalt  }
0x45: {  	_ =	shalt  }
0x46: {  	_ =	shalt  }
0x47: {  	_ =	shalt  }
0x48: {  	_ =	shalt  }
0x49: {  	_ =	shalt  }
0x4a: {  	_ =	shalt  }
0x4b: {  	_ =	shalt  }
0x4c: {  	_ =	shalt  }
0x4d: {  	_ =	shalt  }
0x4e: {  	_ =	shalt  }
0x4f: {  	_ =	shalt  }
0x50: {  	_ =	shalt  }
0x51: {  	_ =	shalt  }
0x52: {  	_ =	shalt  }
0x53: {  	_ =	shalt  }
0x54: {  	_ =	shalt  }
0x55: {  	_ =	shalt  }
0x56: {  	_ =	shalt  }
0x57: {  	_ =	shalt  }
0x58: {  	_ =	shalt  }
0x59: {  	_ =	shalt  }
0x5a: {  	_ =	shalt  }
0x5b: {  	_ =	shalt  }
0x5c: {  	_ =	shalt  }
0x5d: {  	_ =	shalt  }
0x5e: {  	_ =	shalt  }
0x5f: {  	_ =	shalt  }
0x60: {  	_ =	shalt  }
0x61: {  	_ =	shalt  }
0x62: {  	_ =	shalt  }
0x63: {  	_ =	shalt  }
0x64: {  	_ =	shalt  }
0x65: {  	_ =	shalt  }
0x66: {  	_ =	shalt  }
0x67: {  	_ =	shalt  }
0x68: {  	_ =	shalt  }
0x69: {  	_ =	shalt  }
0x6a: {  	_ =	shalt  }
0x6b: {  	_ =	shalt  }
0x6c: {  	_ =	shalt  }
0x6d: {  	_ =	shalt  }
0x6e: {  	_ =	shalt  }
0x6f: {  	_ =	shalt  }
0x70: {  	_ =	shalt  }
0x71: {  	_ =	shalt  }
0x72: {  	_ =	shalt  }
0x73: {  	_ =	shalt  }
0x74: {  	_ =	shalt  }
0x75: {  	_ =	shalt  }
0x76: {  	_ =	shalt  }
0x77: {  	_ =	shalt  }
0x78: {  	_ =	shalt  }
0x79: {  	_ =	shalt  }
0x7a: {  	_ =	shalt  }
0x7b: {  	_ =	shalt  }
0x7c: {  	_ =	shalt  }
0x7d: {  	_ =	shalt  }
0x7e: {  	_ =	shalt  }
0x7f: {  	_ =	shalt  }
0x80: {  	_ =	shalt  }
0x81: {  	_ =	shalt  }
0x82: {  	_ =	shalt  }
0x83: {  	_ =	shalt  }
0x84: {  	_ =	shalt  }
0x85: {  	_ =	shalt  }
0x86: {  	_ =	shalt  }
0x87: {  	_ =	shalt  }
.Lfunc_end0:
.L_simem_size_0:
called_computation_lowered:
.L_overlay_start_0:
0x88: {  	s2 =	sld [smem:$0x3FD9]  }
0x89: {  	s3 =	sld [smem:$0x3FFE];
	_ =	sdelay $0x1  }
0x8a: {  	s1 =	srdreg.scid  }
0x8b: {  	s0 =	sand.u32 $0x1, s1  }
0x8c: {  	s15 =	sshll.u32 s0, $0xA;
	s2 =	sadd.s32 s3, s2  }
0x8d: {  	s2 =	sadd.s32 s2, s15  }
0x8e: {  	[smem:$0x3FC3] =	sst s2  }
0x8f: {  	_ = 	snop  }
0x90: {  	s2 =	sld [smem:$0x3FD0];
	_ =	sdelay $0x2  }
0x91: {  	s4 =	simm.s32 $0xA;
	s5 =	simm.s32 $0x10;
	s16 =	sld [smem:$0x3FC9]  }
0x92: {  	[smem:s5], [sflag:s4] =	dma.local [hbm:s2], $0x1  }
0x93: {  	_ =	swait.eq [sflag:s4], $0x1  }
0x94: {  	[sflag:s4] =	ssyncset.done $0x0  }
0x95: {  	s17 =	sld [smem:$0x12];
	[sflag:s4] =	ssyncadd.s32 $0xFFFFFFFF  }
0x96: {  	s18 =	sld [smem:$0x15];
	(tm) =	ssettm $0x1  }
0x97: {  	s19 =	sld [smem:$0x3FFB];
	_ =	sdelay $0x3  }
0x98: {  	_ =	strace s19  }
0x99: {  	s5 =	sld [smem:$0x3FFC];
	_ =	sdelay $0x3  }
0x9a: {  	_ =	strace s5  }
0x9b: {  	s5 =	sld [smem:$0x3FFD];
	_ =	sdelay $0x3  }
0x9c: {  	_ =	strace s5  }
0x9d: {  	_ =	strace $0x8FFFFFFF  }
0x9e: {  	s20 =	sld [smem:$0x3FDB];
	_ =	sdelay $0x1  }
0x9f: {  	s6 =	simm.s32 $_scs_section_size  }
0xa0: {  	s7 =	simm.s32 $_size__tile_overlayer_lowered;
	s8 =	simm.s32 $_tile_overlayer_lowered  }
0xa1: {  	s23 =	simm.s32 $0x1BFF;
	s22 =	sshll.u32 s8, $0x1;
	s5 =	sadd.s32 s6, s20  }
0xa2: {  	s9 =	simm.s32 $0x0;
	s21 =	sshll.u32 s7, $0x1;
	s7 =	sadd.s32 s22, s5  }
0xa3: {  	[timem:s9], [sflag:s23] =	dma.local [hbm:s7], s21  }
0xa4: {  	_ =	swait.ge [sflag:s23], s21  }
0xa5: {  	s6 =	ssub.s32 $0x0, s21;
	[sflag:s23] =	ssyncset.done $0x0  }
0xa6: {  	[sflag:s23] =	ssyncadd.s32 s6;
	_ =	sdelay $0x1  }
0xa7: {  	s24 =	simm.s32 $0x1B8B  }
0xa8: {  	_ =	swait.ge [sflag:s24], $0x1  }
0xa9: {  	[sflag:s24] =	ssyncset.done $0x0  }
0xaa: {  	s25 =	simm.s32 $0x1B8E;
	[sflag:s24] =	ssyncadd.s32 $0xFFFFFFFF  }
0xab: {  	s26 =	simm.s32 $execute0_lowered;
	[smem:$0x3FD2] =	sst s25  }
0xac: {  	s6 =	sshll.u32 s26, $0x1;
	_ =	strace $0x80000046;
	[dreg:$0x1] =	wrdreg $0xFFFFFFFF  }
0xad: {  	s28 =	simm.s32 $_size_execute0_lowered;
	s5 =	sadd.s32 s5, s6;
	[dreg:$0x0] =	wrdreg $0x0  }
0xae: {  	s6 =	sshll.u32 s28, $0x1;
	[dreg:$0x2] =	wrdreg s5  }
0xaf: {  	[dreg:$0x3] =	wrdreg s6  }
0xb0: {  	[dreg:$0x4] =	wrdreg $0xC0  }
0xb1: {  	_ =	task [dreg:s9], $0x5FFFF  }
0xb2: {  	[dreg:$0x1] =	wrdreg $0xFFFFFFFF  }
0xb3: {  	[dreg:$0x0] =	wrdreg $0x60  }
0xb4: {  	[dreg:$0x2] =	wrdreg s16  }
0xb5: {  	[dreg:$0x3] =	wrdreg s18  }
0xb6: {  	[dreg:$0x4] =	wrdreg s17  }
0xb7: {  	[dreg:$0x5] =	wrdreg $0x9  }
0xb8: {  	_ =	task.clear_ibuf [dreg:s9], $0x6FFFF;
	_ =	strace $0x90000046  }
0xb9: {  	s29 =	simm.s32 $0x9;
	_ =	strace $0x80000048  }
0xba: {  	_ =	swait.ge [sflag:s29], $0x1  }
0xbb: {  	[sflag:s29] =	ssyncadd.s32 $0xFFFFFFFF  }
0xbc: {  	_ =	strace $0x90000048  }
0xbd: {  	_ =	sfence  }
0xbe: {  	s30 =	sld [smem:$0x0];
	_ =	sdelay $0x2  }
0xbf: {  	s31 =	sshll.u32 s1, $0xD;
	s1 =	sshrl.u32 s1, $0x2  }
0xc0: {  	s3 =	sand.u32 $0x4000, s31;
	s1 =	sadd.s32 s1, s30  }
0xc1: {  	s0 =	sor.u32 s3, s0;
	s1 =	sshll.u32 s1, $0x11  }
0xc2: {  	s0 =	sor.u32 s1, s0  }
0xc3: {  	s0 =	sadd.s32 $0x8F2B, s0  }
0xc4: {  	[sflag:s0] =	ssyncadd.remote.s32 $0x1  }
0xc5: {  	_ =	sfence.sel $0xFFFF  }
0xc6: {  	[dreg:$0x0] =	wrdreg $0xFFFFFFFF;
	(pc) =	sbr.abs _section_cstart, $3  }
0xc7: {  	[dreg:$0x1] =	wrdreg $0xFFFFFFFF  }
0xc8: {  	_ =	task.clear_ibuf [dreg:s9], $0x2FFFF;
	_ =	strace $0x9FFFFFFF  }
0xc9: {  	(tm) =	ssettm $0x7FFFFFFF  }
tec
execute0_lowered:
.L_overlay_start_1:
0x0: {  	(tag) =	ssettag $0x1  }
0x1: {  	s1 =	rddreg [dreg:$0x0]  }
0x2: {  	s0 =	rddreg [dreg:$0x1]  }
0x3: {  	s2 =	rddreg [dreg:$0x2]  }
0x4: {  	s3 =	srdreg.scid;
	s8 =	stileid.u32;
	s10 =	simm.s32 $0x1  }
0x5: {  	s17 =	simm.s32 $0x2;
	s4 =	sand.u32 $0x1, s3;
	s3 =	simm.s32 $0x0  }
0x6: {  	s6 =	sshll.u32 s8, $0x1;
	s5 =	ssub.s32 $0x2, s4;
	[smem:$0x7FF] =	sst s3  }
0x7: {  	s6 =	sor.u32 s4, s6;
	p1 =	seq.s32 s4, $0x1;
	s7 =	sshrl.u32 s5, $0x1  }
0x8: {  	_ =	strace $0x80000047;
	p0 =	seq.s32 s6, $0x0;
	s21 =	sshll.u32 s6, $0x6  }
0x9: {  	s22 =	sshll.u32 s6, $0xF;
	s6 =	sadd.s32 $0x100, s1;
	s0 =	sadd.s32 s0, s21  }
0xa: {  	s7 =	ssub.s32 s5, s7;
	s23 =	sadd.s32 s2, s22;
	[dreg:$0x4] =	wrdreg s0  }
0xb: {  	p0 =	por !p0, !p1;
	s24 =	sadd.s32 $0x1000, s23;
	[dreg:$0xc] =	wrdreg s23  }
0xc: {  	s2 =	simm.s32 $0x1;
	s25 =	sadd.s32 $0x2000, s23;
	[dreg:$0x5] =	wrdreg s24  }
0xd: {  	p0 =	por !p0, !p0;
	s26 =	sadd.s32 $0x3000, s23;
	[dreg:$0x6] =	wrdreg s25  }
0xe: {  	s28 =	sadd.s32 $0x4000, s23;
	s29 =	sadd.s32 $0x5000, s23;
	[dreg:$0x7] =	wrdreg s26  }
0xf: {  	s30 =	sadd.s32 $0x6000, s23;
	s2 =	simm.s32 @!p0 $0x0;
	[dreg:$0x8] =	wrdreg s28  }
0x10: {  	v3 =	vlaneseq.u32;
	s31 =	sadd.s32 $0x7000, s23;
	[dreg:$0x9] =	wrdreg s29;
	s2 =	ssub.s32 s8, s2  }
0x11: {  	vm0 =	vmmov $0xffff;
	v1 =	vand.u32 $0x7, v3;
	v2 =	vshrl.u32 v3, $0x3;
	s7 =	smax.u32 s7, $0x1;
	[dreg:$0xa] =	wrdreg s30;
	s12 =	sshll.u32 s2, $0xC  }
0x12: {  	v3 =	vor.u32 $0x8, v3;
	v2 =	vmul.u32 $0x8, v2;
	[dreg:$0xb] =	wrdreg s31;
	s25 =	simm.s32 $0x200;
	s8 =	simm.s32 $0x3;
	v0 =	vmov s12  }
.LBB2_1:
0x13: {  	s18 =	rddreg [dreg:$0x4]  }
0x14: {  	[tilespmem:s3], [sflag:$0x3] =	stream.linear.gather [hbm4b:s18+s3], $0x200, $0x38;
	[tilespmem:$0x10200] =	vst v63  }
0x15: {  	_ =	swait.ge [sflag:s8], $0x200  }
0x16: {  	[sflag:s8] =	ssyncset.done $0x0  }
0x17: {  	[sflag:s8] =	ssyncadd.s32 $0xFFFFFE00  }
0x18: {  	v4 =	vld [tilespmem:$0x0]  }
0x19: {  	v5 =	vld [tilespmem:$0x10]  }
0x1a: {  	v6 =	vld [tilespmem:$0x20]  }
0x1b: {  	v7 =	vld [tilespmem:$0x30]  }
0x1c: {  	v8 =	vld [tilespmem:$0x40]  }
0x1d: {  	v10 =	vld [tilespmem:$0x50];
	v9 =	vadd.s32 v0, v4  }
0x1e: {  	v11 =	vld [tilespmem:$0x60];
	v5 =	vadd.s32 v0, v5;
	[tilespmem:$0x0] =	vst v9  }
0x1f: {  	v37 =	vld [tilespmem:$0x70];
	[tilespmem:$0x10] =	vst v5;
	v5 =	vadd.s32 v0, v6  }
0x20: {  	v38 =	vld [tilespmem:$0x80];
	[tilespmem:$0x20] =	vst v5;
	v5 =	vadd.s32 v0, v7  }
0x21: {  	v39 =	vld [tilespmem:$0x90];
	[tilespmem:$0x30] =	vst v5;
	v5 =	vadd.s32 v0, v8  }
0x22: {  	v40 =	vld [tilespmem:$0xA0];
	[tilespmem:$0x40] =	vst v5;
	v5 =	vadd.s32 v0, v10  }
0x23: {  	v41 =	vld [tilespmem:$0xB0];
	[tilespmem:$0x50] =	vst v5;
	v5 =	vadd.s32 v0, v11  }
0x24: {  	v42 =	vld [tilespmem:$0xC0];
	[tilespmem:$0x60] =	vst v5;
	v5 =	vadd.s32 v0, v37  }
0x25: {  	v43 =	vld [tilespmem:$0xD0];
	[tilespmem:$0x70] =	vst v5;
	v5 =	vadd.s32 v0, v38  }
0x26: {  	v44 =	vld [tilespmem:$0xE0];
	[tilespmem:$0x80] =	vst v5;
	v5 =	vadd.s32 v0, v39  }
0x27: {  	v45 =	vld [tilespmem:$0xF0];
	[tilespmem:$0x90] =	vst v5;
	v5 =	vadd.s32 v0, v40  }
0x28: {  	v46 =	vld [tilespmem:$0x100];
	[tilespmem:$0xA0] =	vst v5;
	v5 =	vadd.s32 v0, v41  }
0x29: {  	v47 =	vld [tilespmem:$0x110];
	[tilespmem:$0xB0] =	vst v5;
	v5 =	vadd.s32 v0, v42  }
0x2a: {  	v48 =	vld [tilespmem:$0x120];
	[tilespmem:$0xC0] =	vst v5;
	v5 =	vadd.s32 v0, v43  }
0x2b: {  	v49 =	vld [tilespmem:$0x130];
	[tilespmem:$0xD0] =	vst v5;
	v5 =	vadd.s32 v0, v44  }
0x2c: {  	v50 =	vld [tilespmem:$0x140];
	[tilespmem:$0xE0] =	vst v5;
	v5 =	vadd.s32 v0, v45  }
0x2d: {  	v51 =	vld [tilespmem:$0x150];
	[tilespmem:$0xF0] =	vst v5;
	v5 =	vadd.s32 v0, v46  }
0x2e: {  	v52 =	vld [tilespmem:$0x160];
	[tilespmem:$0x100] =	vst v5;
	v5 =	vadd.s32 v0, v47  }
0x2f: {  	v53 =	vld [tilespmem:$0x170];
	[tilespmem:$0x110] =	vst v5;
	v5 =	vadd.s32 v0, v48  }
0x30: {  	v54 =	vld [tilespmem:$0x180];
	[tilespmem:$0x120] =	vst v5;
	v5 =	vadd.s32 v0, v49  }
0x31: {  	v55 =	vld [tilespmem:$0x190];
	[tilespmem:$0x130] =	vst v5;
	v5 =	vadd.s32 v0, v50  }
0x32: {  	v56 =	vld [tilespmem:$0x1A0];
	[tilespmem:$0x140] =	vst v5;
	v5 =	vadd.s32 v0, v51  }
0x33: {  	v57 =	vld [tilespmem:$0x1B0];
	[tilespmem:$0x150] =	vst v5;
	v5 =	vadd.s32 v0, v52  }
0x34: {  	v58 =	vld [tilespmem:$0x1C0];
	v9 =	vshll.u32 v9, $0x2;
	[tilespmem:$0x160] =	vst v5;
	v5 =	vadd.s32 v0, v53  }
0x35: {  	v59 =	vld [tilespmem:$0x1D0];
	v4 =	vand.u32 $0x7, v4;
	v9 =	vand.u32 $0xFFFFFFE0, v9;
	[tilespmem:$0x170] =	vst v5;
	v5 =	vadd.s32 v0, v54  }
0x36: {  	v60 =	vld [tilespmem:$0x1E0];
	v4 =	vor.u32 v4, v9;
	[tilespmem:$0x180] =	vst v5;
	v5 =	vadd.s32 v0, v55  }
0x37: {  	v61 =	vld [tilespmem:$0x1F0];
	v62 =	vperm.xlane v4, v1;
	[tilespmem:$0x190] =	vst v5;
	v5 =	vadd.s32 v0, v56  }
0x38: {  	[tilespmem:$0x1A0] =	vst v5;
	v5 =	vadd.s32 v0, v57  }
0x39: {  	v63 =	vadd.s32 v2, v62;
	[tilespmem:$0x1B0] =	vst v5;
	v5 =	vadd.s32 v0, v58  }
0x3a: {  	[tilespmem:$0x1C0] =	vst v5;
	v5 =	vadd.s32 v0, v59  }
0x3b: {  	v4 =	vperm.xlane v4, v3;
	[tilespmem:$0x1D0] =	vst v5;
	v5 =	vadd.s32 v0, v60  }
0x3c: {  	[tilespmem:$0x1E0] =	vst v5;
	v5 =	vadd.s32 v0, v61  }
0x3d: {  	v4 =	vadd.s32 v2, v4;
	[tilespmem:$0x1F0] =	vst v5  }
0x3e: {  	[tilespmem:s25], [sflag:$0x1] =	stream.indirect_vreg.gather [hbm4b:s1+s3], $0x80, v63, vm0, $0xb8;
	[tilespmem:$0x10200] =	vst v63  }
0x3f: {  	s0 =	simm.s32 $0xA00  }
0x40: {  	[tilespmem:s0], [sflag:$0x1] =	stream.indirect_vreg.gather [hbm4b:s6+s3], $0x80, v63, vm0, $0xb8;
	[tilespmem:$0x10200] =	vst v63  }
0x41: {  	s24 =	simm.s32 $0x1200  }
0x42: {  	[tilespmem:s24], [sflag:$0x1] =	stream.indirect_vreg.gather [hbm4b:s1+s3], $0x80, v4, vm0, $0xb8;
	[tilespmem:$0x10200] =	vst v63  }
0x43: {  	s26 =	simm.s32 $0x1A00  }
0x44: {  	[tilespmem:s26], [sflag:$0x1] =	stream.indirect_vreg.gather [hbm4b:s6+s3], $0x80, v4, vm0, $0xb8;
	[tilespmem:$0x10200] =	vst v63  }
0x45: {  	v4 =	vld [tilespmem:$0x10];
	_ =	sdelay $0x4  }
0x46: {  	v5 =	vshll.u32 v4, $0x2  }
0x47: {  	v4 =	vand.u32 $0x7, v4;
	v5 =	vand.u32 $0xFFFFFFE0, v5  }
0x48: {  	v4 =	vor.u32 v4, v5  }
0x49: {  	v5 =	vperm.xlane v4, v1;
	_ =	sdelay $0x1  }
0x4a: {  	v5 =	vadd.s32 v2, v5;
	_ =	sdelay $0x1  }
0x4b: {  	v4 =	vperm.xlane v4, v3;
	_ =	sdelay $0x1  }
0x4c: {  	s28 =	simm.s32 $0x2200;
	v4 =	vadd.s32 v2, v4  }
0x4d: {  	[tilespmem:s28], [sflag:$0x1] =	stream.indirect_vreg.gather [hbm4b:s1+s3], $0x80, v5, vm0, $0xb8;
	[tilespmem:$0x10200] =	vst v63  }
0x4e: {  	s29 =	simm.s32 $0x2A00  }
0x4f: {  	[tilespmem:s29], [sflag:$0x1] =	stream.indirect_vreg.gather [hbm4b:s6+s3], $0x80, v5, vm0, $0xb8;
	[tilespmem:$0x10200] =	vst v63  }
0x50: {  	s30 =	simm.s32 $0x3200  }
0x51: {  	[tilespmem:s30], [sflag:$0x1] =	stream.indirect_vreg.gather [hbm4b:s1+s3], $0x80, v4, vm0, $0xb8;
	[tilespmem:$0x10200] =	vst v63  }
0x52: {  	s31 =	simm.s32 $0x3A00  }
0x53: {  	[tilespmem:s31], [sflag:$0x1] =	stream.indirect_vreg.gather [hbm4b:s6+s3], $0x80, v4, vm0, $0xb8;
	[tilespmem:$0x10200] =	vst v63  }
0x54: {  	v4 =	vld [tilespmem:$0x20];
	_ =	sdelay $0x4  }
0x55: {  	v5 =	vshll.u32 v4, $0x2  }
0x56: {  	v4 =	vand.u32 $0x7, v4;
	v5 =	vand.u32 $0xFFFFFFE0, v5  }
0x57: {  	v4 =	vor.u32 v4, v5  }
0x58: {  	v5 =	vperm.xlane v4, v1;
	_ =	sdelay $0x1  }
0x59: {  	v5 =	vadd.s32 v2, v5;
	_ =	sdelay $0x1  }
0x5a: {  	v4 =	vperm.xlane v4, v3;
	_ =	sdelay $0x1  }
0x5b: {  	s2 =	simm.s32 $0x4200;
	v4 =	vadd.s32 v2, v4  }
0x5c: {  	[tilespmem:s2], [sflag:$0x1] =	stream.indirect_vreg.gather [hbm4b:s1+s3], $0x80, v5, vm0, $0xb8;
	[tilespmem:$0x10200] =	vst v63  }
0x5d: {  	s4 =	simm.s32 $0x4A00  }
0x5e: {  	[tilespmem:s4], [sflag:$0x1] =	stream.indirect_vreg.gather [hbm4b:s6+s3], $0x80, v5, vm0, $0xb8;
	[tilespmem:$0x10200] =	vst v63  }
0x5f: {  	s9 =	simm.s32 $0x5200  }
0x60: {  	[tilespmem:s9], [sflag:$0x1] =	stream.indirect_vreg.gather [hbm4b:s1+s3], $0x80, v4, vm0, $0xb8;
	[tilespmem:$0x10200] =	vst v63  }
0x61: {  	s11 =	simm.s32 $0x5A00  }
0x62: {  	[tilespmem:s11], [sflag:$0x1] =	stream.indirect_vreg.gather [hbm4b:s6+s3], $0x80, v4, vm0, $0xb8;
	[tilespmem:$0x10200] =	vst v63  }
0x63: {  	v4 =	vld [tilespmem:$0x30];
	_ =	sdelay $0x4  }
0x64: {  	v5 =	vshll.u32 v4, $0x2  }
0x65: {  	v4 =	vand.u32 $0x7, v4;
	v5 =	vand.u32 $0xFFFFFFE0, v5  }
0x66: {  	v4 =	vor.u32 v4, v5  }
0x67: {  	v5 =	vperm.xlane v4, v1;
	_ =	sdelay $0x1  }
0x68: {  	v5 =	vadd.s32 v2, v5;
	_ =	sdelay $0x1  }
0x69: {  	v4 =	vperm.xlane v4, v3;
	_ =	sdelay $0x1  }
0x6a: {  	s12 =	simm.s32 $0x6200;
	v4 =	vadd.s32 v2, v4  }
0x6b: {  	[tilespmem:s12], [sflag:$0x1] =	stream.indirect_vreg.gather [hbm4b:s1+s3], $0x80, v5, vm0, $0xb8;
	[tilespmem:$0x10200] =	vst v63  }
0x6c: {  	s14 =	simm.s32 $0x6A00  }
0x6d: {  	[tilespmem:s14], [sflag:$0x1] =	stream.indirect_vreg.gather [hbm4b:s6+s3], $0x80, v5, vm0, $0xb8;
	[tilespmem:$0x10200] =	vst v63  }
0x6e: {  	s18 =	simm.s32 $0x7200  }
0x6f: {  	[tilespmem:s18], [sflag:$0x1] =	stream.indirect_vreg.gather [hbm4b:s1+s3], $0x80, v4, vm0, $0xb8;
	[tilespmem:$0x10200] =	vst v63  }
0x70: {  	s19 =	simm.s32 $0x7A00  }
0x71: {  	[tilespmem:s19], [sflag:$0x1] =	stream.indirect_vreg.gather [hbm4b:s6+s3], $0x80, v4, vm0, $0xb8;
	[tilespmem:$0x10200] =	vst v63  }
0x72: {  	v4 =	vld [tilespmem:$0x40];
	_ =	sdelay $0x4  }
0x73: {  	v5 =	vshll.u32 v4, $0x2  }
0x74: {  	v4 =	vand.u32 $0x7, v4;
	v5 =	vand.u32 $0xFFFFFFE0, v5  }
0x75: {  	v4 =	vor.u32 v4, v5  }
0x76: {  	v5 =	vperm.xlane v4, v1;
	_ =	sdelay $0x1  }
0x77: {  	v5 =	vadd.s32 v2, v5;
	_ =	sdelay $0x1  }
0x78: {  	v4 =	vperm.xlane v4, v3;
	_ =	sdelay $0x1  }
0x79: {  	s0 =	simm.s32 $0x8200;
	v4 =	vadd.s32 v2, v4  }
0x7a: {  	[tilespmem:s0], [sflag:$0x2] =	stream.indirect_vreg.gather [hbm4b:s1+s3], $0x80, v5, vm0, $0xb8;
	[tilespmem:$0x10200] =	vst v63  }
0x7b: {  	s2 =	simm.s32 $0x8A00  }
0x7c: {  	[tilespmem:s2], [sflag:$0x2] =	stream.indirect_vreg.gather [hbm4b:s6+s3], $0x80, v5, vm0, $0xb8;
	[tilespmem:$0x10200] =	vst v63  }
0x7d: {  	s20 =	simm.s32 $0x9200  }
0x7e: {  	[tilespmem:s20], [sflag:$0x2] =	stream.indirect_vreg.gather [hbm4b:s1+s3], $0x80, v4, vm0, $0xb8;
	[tilespmem:$0x10200] =	vst v63  }
0x7f: {  	s21 =	simm.s32 $0x9A00  }
0x80: {  	[tilespmem:s21], [sflag:$0x2] =	stream.indirect_vreg.gather [hbm4b:s6+s3], $0x80, v4, vm0, $0xb8;
	[tilespmem:$0x10200] =	vst v63  }
0x81: {  	v4 =	vld [tilespmem:$0x50];
	_ =	sdelay $0x4  }
0x82: {  	v5 =	vshll.u32 v4, $0x2  }
0x83: {  	v4 =	vand.u32 $0x7, v4;
	v5 =	vand.u32 $0xFFFFFFE0, v5  }
0x84: {  	v4 =	vor.u32 v4, v5  }
0x85: {  	v5 =	vperm.xlane v4, v1;
	_ =	sdelay $0x1  }
0x86: {  	v5 =	vadd.s32 v2, v5;
	_ =	sdelay $0x1  }
0x87: {  	v4 =	vperm.xlane v4, v3;
	_ =	sdelay $0x1  }
0x88: {  	s22 =	simm.s32 $0xA200;
	v4 =	vadd.s32 v2, v4  }
0x89: {  	[tilespmem:s22], [sflag:$0x2] =	stream.indirect_vreg.gather [hbm4b:s1+s3], $0x80, v5, vm0, $0xb8;
	[tilespmem:$0x10200] =	vst v63  }
0x8a: {  	s28 =	simm.s32 $0xAA00  }
0x8b: {  	[tilespmem:s28], [sflag:$0x2] =	stream.indirect_vreg.gather [hbm4b:s6+s3], $0x80, v5, vm0, $0xb8;
	[tilespmem:$0x10200] =	vst v63  }
0x8c: {  	s29 =	simm.s32 $0xB200  }
0x8d: {  	[tilespmem:s29], [sflag:$0x2] =	stream.indirect_vreg.gather [hbm4b:s1+s3], $0x80, v4, vm0, $0xb8;
	[tilespmem:$0x10200] =	vst v63  }
0x8e: {  	s30 =	simm.s32 $0xBA00  }
0x8f: {  	[tilespmem:s30], [sflag:$0x2] =	stream.indirect_vreg.gather [hbm4b:s6+s3], $0x80, v4, vm0, $0xb8;
	[tilespmem:$0x10200] =	vst v63  }
0x90: {  	v4 =	vld [tilespmem:$0x60];
	_ =	sdelay $0x4  }
0x91: {  	v5 =	vshll.u32 v4, $0x2  }
0x92: {  	v4 =	vand.u32 $0x7, v4;
	v5 =	vand.u32 $0xFFFFFFE0, v5  }
0x93: {  	v4 =	vor.u32 v4, v5  }
0x94: {  	v5 =	vperm.xlane v4, v1;
	_ =	sdelay $0x1  }
0x95: {  	v5 =	vadd.s32 v2, v5;
	_ =	sdelay $0x1  }
0x96: {  	v4 =	vperm.xlane v4, v3;
	_ =	sdelay $0x1  }
0x97: {  	s31 =	simm.s32 $0xC200;
	v4 =	vadd.s32 v2, v4  }
0x98: {  	[tilespmem:s31], [sflag:$0x2] =	stream.indirect_vreg.gather [hbm4b:s1+s3], $0x80, v5, vm0, $0xb8;
	[tilespmem:$0x10200] =	vst v63  }
0x99: {  	s4 =	simm.s32 $0xCA00  }
0x9a: {  	[tilespmem:s4], [sflag:$0x2] =	stream.indirect_vreg.gather [hbm4b:s6+s3], $0x80, v5, vm0, $0xb8;
	[tilespmem:$0x10200] =	vst v63  }
0x9b: {  	s9 =	simm.s32 $0xD200  }
0x9c: {  	[tilespmem:s9], [sflag:$0x2] =	stream.indirect_vreg.gather [hbm4b:s1+s3], $0x80, v4, vm0, $0xb8;
	[tilespmem:$0x10200] =	vst v63  }
0x9d: {  	s11 =	simm.s32 $0xDA00  }
0x9e: {  	[tilespmem:s11], [sflag:$0x2] =	stream.indirect_vreg.gather [hbm4b:s6+s3], $0x80, v4, vm0, $0xb8;
	[tilespmem:$0x10200] =	vst v63  }
0x9f: {  	v4 =	vld [tilespmem:$0x70];
	_ =	sdelay $0x4  }
0xa0: {  	v5 =	vshll.u32 v4, $0x2  }
0xa1: {  	v4 =	vand.u32 $0x7, v4;
	v5 =	vand.u32 $0xFFFFFFE0, v5  }
0xa2: {  	v4 =	vor.u32 v4, v5  }
0xa3: {  	v5 =	vperm.xlane v4, v1;
	_ =	sdelay $0x1  }
0xa4: {  	v5 =	vadd.s32 v2, v5;
	_ =	sdelay $0x1  }
0xa5: {  	v4 =	vperm.xlane v4, v3;
	_ =	sdelay $0x1  }
0xa6: {  	s12 =	simm.s32 $0xE200;
	v4 =	vadd.s32 v2, v4  }
0xa7: {  	[tilespmem:s12], [sflag:$0x2] =	stream.indirect_vreg.gather [hbm4b:s1+s3], $0x80, v5, vm0, $0xb8;
	[tilespmem:$0x10200] =	vst v63  }
0xa8: {  	s28 =	simm.s32 $0xEA00  }
0xa9: {  	[tilespmem:s28], [sflag:$0x2] =	stream.indirect_vreg.gather [hbm4b:s6+s3], $0x80, v5, vm0, $0xb8;
	[tilespmem:$0x10200] =	vst v63  }
0xaa: {  	s29 =	simm.s32 $0xF200  }
0xab: {  	[tilespmem:s29], [sflag:$0x2] =	stream.indirect_vreg.gather [hbm4b:s1+s3], $0x80, v4, vm0, $0xb8;
	[tilespmem:$0x10200] =	vst v63  }
0xac: {  	s30 =	simm.s32 $0xFA00  }
0xad: {  	[tilespmem:s30], [sflag:$0x2] =	stream.indirect_vreg.gather [hbm4b:s6+s3], $0x80, v4, vm0, $0xb8;
	[tilespmem:$0x10200] =	vst v63  }
0xae: {  	_ =	swait.ge [sflag:s10], $0x8000  }
0xaf: {  	[sflag:s10] =	ssyncset.done $0x0  }
0xb0: {  	s31 =	rddreg [dreg:$0xc];
	[sflag:s10] =	ssyncadd.s32 $0xFFFF8000  }
0xb1: {  	[hbm4b:s31+s3] =	stream.linear.scatter [tilespmem:s25], [sflag:$0x3], $0x8000, $0x38;
	[tilespmem:$0x10200] =	vst v63  }
0xb2: {  	_ =	swait.ge [sflag:s8], $0x8000  }
0xb3: {  	[sflag:s8] =	ssyncset.done $0x0  }
0xb4: {  	[sflag:s8] =	ssyncadd.s32 $0xFFFF8000  }
0xb5: {  	v4 =	vld [tilespmem:$0x80];
	_ =	sdelay $0x4  }
0xb6: {  	v5 =	vshll.u32 v4, $0x2  }
0xb7: {  	v4 =	vand.u32 $0x7, v4;
	v5 =	vand.u32 $0xFFFFFFE0, v5  }
0xb8: {  	v4 =	vor.u32 v4, v5  }
0xb9: {  	v5 =	vperm.xlane v4, v1;
	_ =	sdelay $0x1  }
0xba: {  	v5 =	vadd.s32 v2, v5;
	_ =	sdelay $0x1  }
0xbb: {  	v4 =	vperm.xlane v4, v3;
	_ =	sdelay $0x1  }
0xbc: {  	v4 =	vadd.s32 v2, v4  }
0xbd: {  	[tilespmem:s25], [sflag:$0x1] =	stream.indirect_vreg.gather [hbm4b:s1+s3], $0x80, v5, vm0, $0xb8;
	[tilespmem:$0x10200] =	vst v63  }
0xbe: {  	s5 =	simm.s32 $0xA00  }
0xbf: {  	[tilespmem:s5], [sflag:$0x1] =	stream.indirect_vreg.gather [hbm4b:s6+s3], $0x80, v5, vm0, $0xb8;
	[tilespmem:$0x10200] =	vst v63  }
0xc0: {  	s13 =	simm.s32 $0x1200  }
0xc1: {  	[tilespmem:s13], [sflag:$0x1] =	stream.indirect_vreg.gather [hbm4b:s1+s3], $0x80, v4, vm0, $0xb8;
	[tilespmem:$0x10200] =	vst v63  }
0xc2: {  	s24 =	simm.s32 $0x1A00  }
0xc3: {  	[tilespmem:s24], [sflag:$0x1] =	stream.indirect_vreg.gather [hbm4b:s6+s3], $0x80, v4, vm0, $0xb8;
	[tilespmem:$0x10200] =	vst v63  }
0xc4: {  	v4 =	vld [tilespmem:$0x90];
	_ =	sdelay $0x4  }
0xc5: {  	v5 =	vshll.u32 v4, $0x2  }
0xc6: {  	v4 =	vand.u32 $0x7, v4;
	v5 =	vand.u32 $0xFFFFFFE0, v5  }
0xc7: {  	v4 =	vor.u32 v4, v5  }
0xc8: {  	v5 =	vperm.xlane v4, v1;
	_ =	sdelay $0x1  }
0xc9: {  	v5 =	vadd.s32 v2, v5;
	_ =	sdelay $0x1  }
0xca: {  	v4 =	vperm.xlane v4, v3;
	_ =	sdelay $0x1  }
0xcb: {  	s15 =	simm.s32 $0x2200;
	v4 =	vadd.s32 v2, v4  }
0xcc: {  	[tilespmem:s15], [sflag:$0x1] =	stream.indirect_vreg.gather [hbm4b:s1+s3], $0x80, v5, vm0, $0xb8;
	[tilespmem:$0x10200] =	vst v63  }
0xcd: {  	s16 =	simm.s32 $0x2A00  }
0xce: {  	[tilespmem:s16], [sflag:$0x1] =	stream.indirect_vreg.gather [hbm4b:s6+s3], $0x80, v5, vm0, $0xb8;
	[tilespmem:$0x10200] =	vst v63  }
0xcf: {  	s23 =	simm.s32 $0x3200  }
0xd0: {  	[tilespmem:s23], [sflag:$0x1] =	stream.indirect_vreg.gather [hbm4b:s1+s3], $0x80, v4, vm0, $0xb8;
	[tilespmem:$0x10200] =	vst v63  }
0xd1: {  	s28 =	simm.s32 $0x3A00  }
0xd2: {  	[tilespmem:s28], [sflag:$0x1] =	stream.indirect_vreg.gather [hbm4b:s6+s3], $0x80, v4, vm0, $0xb8;
	[tilespmem:$0x10200] =	vst v63  }
0xd3: {  	v4 =	vld [tilespmem:$0xA0];
	_ =	sdelay $0x4  }
0xd4: {  	v5 =	vshll.u32 v4, $0x2  }
0xd5: {  	v4 =	vand.u32 $0x7, v4;
	v5 =	vand.u32 $0xFFFFFFE0, v5  }
0xd6: {  	v4 =	vor.u32 v4, v5  }
0xd7: {  	v5 =	vperm.xlane v4, v1;
	_ =	sdelay $0x1  }
0xd8: {  	v5 =	vadd.s32 v2, v5;
	_ =	sdelay $0x1  }
0xd9: {  	v4 =	vperm.xlane v4, v3;
	_ =	sdelay $0x1  }
0xda: {  	s26 =	simm.s32 $0x4200;
	v4 =	vadd.s32 v2, v4  }
0xdb: {  	[tilespmem:s26], [sflag:$0x1] =	stream.indirect_vreg.gather [hbm4b:s1+s3], $0x80, v5, vm0, $0xb8;
	[tilespmem:$0x10200] =	vst v63  }
0xdc: {  	s29 =	simm.s32 $0x4A00  }
0xdd: {  	[tilespmem:s29], [sflag:$0x1] =	stream.indirect_vreg.gather [hbm4b:s6+s3], $0x80, v5, vm0, $0xb8;
	[tilespmem:$0x10200] =	vst v63  }
0xde: {  	s30 =	simm.s32 $0x5200  }
0xdf: {  	[tilespmem:s30], [sflag:$0x1] =	stream.indirect_vreg.gather [hbm4b:s1+s3], $0x80, v4, vm0, $0xb8;
	[tilespmem:$0x10200] =	vst v63  }
0xe0: {  	s31 =	simm.s32 $0x5A00  }
0xe1: {  	[tilespmem:s31], [sflag:$0x1] =	stream.indirect_vreg.gather [hbm4b:s6+s3], $0x80, v4, vm0, $0xb8;
	[tilespmem:$0x10200] =	vst v63  }
0xe2: {  	v4 =	vld [tilespmem:$0xB0];
	_ =	sdelay $0x4  }
0xe3: {  	v5 =	vshll.u32 v4, $0x2  }
0xe4: {  	v4 =	vand.u32 $0x7, v4;
	v5 =	vand.u32 $0xFFFFFFE0, v5  }
0xe5: {  	v4 =	vor.u32 v4, v5  }
0xe6: {  	v5 =	vperm.xlane v4, v1;
	_ =	sdelay $0x1  }
0xe7: {  	v5 =	vadd.s32 v2, v5;
	_ =	sdelay $0x1  }
0xe8: {  	v4 =	vperm.xlane v4, v3;
	_ =	sdelay $0x1  }
0xe9: {  	s16 =	simm.s32 $0x6200;
	v4 =	vadd.s32 v2, v4  }
0xea: {  	[tilespmem:s16], [sflag:$0x1] =	stream.indirect_vreg.gather [hbm4b:s1+s3], $0x80, v5, vm0, $0xb8;
	[tilespmem:$0x10200] =	vst v63  }
0xeb: {  	s23 =	simm.s32 $0x6A00  }
0xec: {  	[tilespmem:s23], [sflag:$0x1] =	stream.indirect_vreg.gather [hbm4b:s6+s3], $0x80, v5, vm0, $0xb8;
	[tilespmem:$0x10200] =	vst v63  }
0xed: {  	s24 =	simm.s32 $0x7200  }
0xee: {  	[tilespmem:s24], [sflag:$0x1] =	stream.indirect_vreg.gather [hbm4b:s1+s3], $0x80, v4, vm0, $0xb8;
	[tilespmem:$0x10200] =	vst v63  }
0xef: {  	s26 =	simm.s32 $0x7A00  }
0xf0: {  	[tilespmem:s26], [sflag:$0x1] =	stream.indirect_vreg.gather [hbm4b:s6+s3], $0x80, v4, vm0, $0xb8;
	[tilespmem:$0x10200] =	vst v63  }
0xf1: {  	_ =	swait.ge [sflag:s17], $0x8000  }
0xf2: {  	[sflag:s17] =	ssyncset.done $0x0  }
0xf3: {  	s15 =	rddreg [dreg:$0x5];
	[sflag:s17] =	ssyncadd.s32 $0xFFFF8000  }
0xf4: {  	[hbm4b:s15+s3] =	stream.linear.scatter [tilespmem:s0], [sflag:$0x3], $0x8000, $0x38;
	[tilespmem:$0x10200] =	vst v63  }
0xf5: {  	_ =	swait.ge [sflag:s8], $0x8000  }
0xf6: {  	[sflag:s8] =	ssyncset.done $0x0  }
0xf7: {  	[sflag:s8] =	ssyncadd.s32 $0xFFFF8000  }
0xf8: {  	v4 =	vld [tilespmem:$0xC0];
	_ =	sdelay $0x4  }
0xf9: {  	v5 =	vshll.u32 v4, $0x2  }
0xfa: {  	v4 =	vand.u32 $0x7, v4;
	v5 =	vand.u32 $0xFFFFFFE0, v5  }
0xfb: {  	v4 =	vor.u32 v4, v5  }
0xfc: {  	v5 =	vperm.xlane v4, v1;
	_ =	sdelay $0x1  }
0xfd: {  	v5 =	vadd.s32 v2, v5;
	_ =	sdelay $0x1  }
0xfe: {  	v4 =	vperm.xlane v4, v3;
	_ =	sdelay $0x1  }
0xff: {  	v4 =	vadd.s32 v2, v4  }
0x100: {  	[tilespmem:s0], [sflag:$0x2] =	stream.indirect_vreg.gather [hbm4b:s1+s3], $0x80, v5, vm0, $0xb8;
	[tilespmem:$0x10200] =	vst v63  }
0x101: {  	s5 =	simm.s32 $0x8A00  }
0x102: {  	[tilespmem:s5], [sflag:$0x2] =	stream.indirect_vreg.gather [hbm4b:s6+s3], $0x80, v5, vm0, $0xb8;
	[tilespmem:$0x10200] =	vst v63  }
0x103: {  	s13 =	simm.s32 $0x9200  }
0x104: {  	[tilespmem:s13], [sflag:$0x2] =	stream.indirect_vreg.gather [hbm4b:s1+s3], $0x80, v4, vm0, $0xb8;
	[tilespmem:$0x10200] =	vst v63  }
0x105: {  	s14 =	simm.s32 $0x9A00  }
0x106: {  	[tilespmem:s14], [sflag:$0x2] =	stream.indirect_vreg.gather [hbm4b:s6+s3], $0x80, v4, vm0, $0xb8;
	[tilespmem:$0x10200] =	vst v63  }
0x107: {  	v4 =	vld [tilespmem:$0xD0];
	_ =	sdelay $0x4  }
0x108: {  	v5 =	vshll.u32 v4, $0x2  }
0x109: {  	v4 =	vand.u32 $0x7, v4;
	v5 =	vand.u32 $0xFFFFFFE0, v5  }
0x10a: {  	v4 =	vor.u32 v4, v5  }
0x10b: {  	v5 =	vperm.xlane v4, v1;
	_ =	sdelay $0x1  }
0x10c: {  	v5 =	vadd.s32 v2, v5;
	_ =	sdelay $0x1  }
0x10d: {  	v4 =	vperm.xlane v4, v3;
	_ =	sdelay $0x1  }
0x10e: {  	s14 =	simm.s32 $0xA200;
	v4 =	vadd.s32 v2, v4  }
0x10f: {  	[tilespmem:s14], [sflag:$0x2] =	stream.indirect_vreg.gather [hbm4b:s1+s3], $0x80, v5, vm0, $0xb8;
	[tilespmem:$0x10200] =	vst v63  }
0x110: {  	s15 =	simm.s32 $0xAA00  }
0x111: {  	[tilespmem:s15], [sflag:$0x2] =	stream.indirect_vreg.gather [hbm4b:s6+s3], $0x80, v5, vm0, $0xb8;
	[tilespmem:$0x10200] =	vst v63  }
0x112: {  	s19 =	simm.s32 $0xB200  }
0x113: {  	[tilespmem:s19], [sflag:$0x2] =	stream.indirect_vreg.gather [hbm4b:s1+s3], $0x80, v4, vm0, $0xb8;
	[tilespmem:$0x10200] =	vst v63  }
0x114: {  	s2 =	simm.s32 $0xBA00  }
0x115: {  	[tilespmem:s2], [sflag:$0x2] =	stream.indirect_vreg.gather [hbm4b:s6+s3], $0x80, v4, vm0, $0xb8;
	[tilespmem:$0x10200] =	vst v63  }
0x116: {  	v4 =	vld [tilespmem:$0xE0];
	_ =	sdelay $0x4  }
0x117: {  	v5 =	vshll.u32 v4, $0x2  }
0x118: {  	v4 =	vand.u32 $0x7, v4;
	v5 =	vand.u32 $0xFFFFFFE0, v5  }
0x119: {  	v4 =	vor.u32 v4, v5  }
0x11a: {  	v5 =	vperm.xlane v4, v1;
	_ =	sdelay $0x1  }
0x11b: {  	v5 =	vadd.s32 v2, v5;
	_ =	sdelay $0x1  }
0x11c: {  	v4 =	vperm.xlane v4, v3;
	_ =	sdelay $0x1  }
0x11d: {  	s20 =	simm.s32 $0xC200;
	v4 =	vadd.s32 v2, v4  }
0x11e: {  	[tilespmem:s20], [sflag:$0x2] =	stream.indirect_vreg.gather [hbm4b:s1+s3], $0x80, v5, vm0, $0xb8;
	[tilespmem:$0x10200] =	vst v63  }
0x11f: {  	s21 =	simm.s32 $0xCA00  }
0x120: {  	[tilespmem:s21], [sflag:$0x2] =	stream.indirect_vreg.gather [hbm4b:s6+s3], $0x80, v5, vm0, $0xb8;
	[tilespmem:$0x10200] =	vst v63  }
0x121: {  	s22 =	simm.s32 $0xD200  }
0x122: {  	[tilespmem:s22], [sflag:$0x2] =	stream.indirect_vreg.gather [hbm4b:s1+s3], $0x80, v4, vm0, $0xb8;
	[tilespmem:$0x10200] =	vst v63  }
0x123: {  	s4 =	simm.s32 $0xDA00  }
0x124: {  	[tilespmem:s4], [sflag:$0x2] =	stream.indirect_vreg.gather [hbm4b:s6+s3], $0x80, v4, vm0, $0xb8;
	[tilespmem:$0x10200] =	vst v63  }
0x125: {  	v4 =	vld [tilespmem:$0xF0];
	_ =	sdelay $0x4  }
0x126: {  	v5 =	vshll.u32 v4, $0x2  }
0x127: {  	v4 =	vand.u32 $0x7, v4;
	v5 =	vand.u32 $0xFFFFFFE0, v5  }
0x128: {  	v4 =	vor.u32 v4, v5  }
0x129: {  	v5 =	vperm.xlane v4, v1;
	_ =	sdelay $0x1  }
0x12a: {  	v5 =	vadd.s32 v2, v5;
	_ =	sdelay $0x1  }
0x12b: {  	v4 =	vperm.xlane v4, v3;
	_ =	sdelay $0x1  }
0x12c: {  	s22 =	simm.s32 $0xE200;
	v4 =	vadd.s32 v2, v4  }
0x12d: {  	[tilespmem:s22], [sflag:$0x2] =	stream.indirect_vreg.gather [hbm4b:s1+s3], $0x80, v5, vm0, $0xb8;
	[tilespmem:$0x10200] =	vst v63  }
0x12e: {  	s11 =	simm.s32 $0xEA00  }
0x12f: {  	[tilespmem:s11], [sflag:$0x2] =	stream.indirect_vreg.gather [hbm4b:s6+s3], $0x80, v5, vm0, $0xb8;
	[tilespmem:$0x10200] =	vst v63  }
0x130: {  	s12 =	simm.s32 $0xF200  }
0x131: {  	[tilespmem:s12], [sflag:$0x2] =	stream.indirect_vreg.gather [hbm4b:s1+s3], $0x80, v4, vm0, $0xb8;
	[tilespmem:$0x10200] =	vst v63  }
0x132: {  	s9 =	simm.s32 $0xFA00  }
0x133: {  	[tilespmem:s9], [sflag:$0x2] =	stream.indirect_vreg.gather [hbm4b:s6+s3], $0x80, v4, vm0, $0xb8;
	[tilespmem:$0x10200] =	vst v63  }
0x134: {  	_ =	swait.ge [sflag:s10], $0x8000  }
0x135: {  	[sflag:s10] =	ssyncset.done $0x0  }
0x136: {  	s11 =	rddreg [dreg:$0x6];
	[sflag:s10] =	ssyncadd.s32 $0xFFFF8000  }
0x137: {  	[hbm4b:s11+s3] =	stream.linear.scatter [tilespmem:s25], [sflag:$0x3], $0x8000, $0x38;
	[tilespmem:$0x10200] =	vst v63  }
0x138: {  	_ =	swait.ge [sflag:s8], $0x8000  }
0x139: {  	[sflag:s8] =	ssyncset.done $0x0  }
0x13a: {  	[sflag:s8] =	ssyncadd.s32 $0xFFFF8000  }
0x13b: {  	v4 =	vld [tilespmem:$0x100];
	_ =	sdelay $0x4  }
0x13c: {  	v5 =	vshll.u32 v4, $0x2  }
0x13d: {  	v4 =	vand.u32 $0x7, v4;
	v5 =	vand.u32 $0xFFFFFFE0, v5  }
0x13e: {  	v4 =	vor.u32 v4, v5  }
0x13f: {  	v5 =	vperm.xlane v4, v1;
	_ =	sdelay $0x1  }
0x140: {  	v5 =	vadd.s32 v2, v5;
	_ =	sdelay $0x1  }
0x141: {  	v4 =	vperm.xlane v4, v3;
	_ =	sdelay $0x1  }
0x142: {  	v4 =	vadd.s32 v2, v4  }
0x143: {  	[tilespmem:s25], [sflag:$0x1] =	stream.indirect_vreg.gather [hbm4b:s1+s3], $0x80, v5, vm0, $0xb8;
	[tilespmem:$0x10200] =	vst v63  }
0x144: {  	s12 =	simm.s32 $0xA00  }
0x145: {  	[tilespmem:s12], [sflag:$0x1] =	stream.indirect_vreg.gather [hbm4b:s6+s3], $0x80, v5, vm0, $0xb8;
	[tilespmem:$0x10200] =	vst v63  }
0x146: {  	s18 =	simm.s32 $0x1200  }
0x147: {  	[tilespmem:s18], [sflag:$0x1] =	stream.indirect_vreg.gather [hbm4b:s1+s3], $0x80, v4, vm0, $0xb8;
	[tilespmem:$0x10200] =	vst v63  }
0x148: {  	s22 =	simm.s32 $0x1A00  }
0x149: {  	[tilespmem:s22], [sflag:$0x1] =	stream.indirect_vreg.gather [hbm4b:s6+s3], $0x80, v4, vm0, $0xb8;
	[tilespmem:$0x10200] =	vst v63  }
0x14a: {  	v4 =	vld [tilespmem:$0x110];
	_ =	sdelay $0x4  }
0x14b: {  	v5 =	vshll.u32 v4, $0x2  }
0x14c: {  	v4 =	vand.u32 $0x7, v4;
	v5 =	vand.u32 $0xFFFFFFE0, v5  }
0x14d: {  	v4 =	vor.u32 v4, v5  }
0x14e: {  	v5 =	vperm.xlane v4, v1;
	_ =	sdelay $0x1  }
0x14f: {  	v5 =	vadd.s32 v2, v5;
	_ =	sdelay $0x1  }
0x150: {  	v4 =	vperm.xlane v4, v3;
	_ =	sdelay $0x1  }
0x151: {  	s11 =	simm.s32 $0x2200;
	v4 =	vadd.s32 v2, v4  }
0x152: {  	[tilespmem:s11], [sflag:$0x1] =	stream.indirect_vreg.gather [hbm4b:s1+s3], $0x80, v5, vm0, $0xb8;
	[tilespmem:$0x10200] =	vst v63  }
0x153: {  	s12 =	simm.s32 $0x2A00  }
0x154: {  	[tilespmem:s12], [sflag:$0x1] =	stream.indirect_vreg.gather [hbm4b:s6+s3], $0x80, v5, vm0, $0xb8;
	[tilespmem:$0x10200] =	vst v63  }
0x155: {  	s18 =	simm.s32 $0x3200  }
0x156: {  	[tilespmem:s18], [sflag:$0x1] =	stream.indirect_vreg.gather [hbm4b:s1+s3], $0x80, v4, vm0, $0xb8;
	[tilespmem:$0x10200] =	vst v63  }
0x157: {  	_ = 	snop  }
0x158: {  	[tilespmem:s28], [sflag:$0x1] =	stream.indirect_vreg.gather [hbm4b:s6+s3], $0x80, v4, vm0, $0xb8;
	[tilespmem:$0x10200] =	vst v63  }
0x159: {  	v4 =	vld [tilespmem:$0x120];
	_ =	sdelay $0x4  }
0x15a: {  	v5 =	vshll.u32 v4, $0x2  }
0x15b: {  	v4 =	vand.u32 $0x7, v4;
	v5 =	vand.u32 $0xFFFFFFE0, v5  }
0x15c: {  	v4 =	vor.u32 v4, v5  }
0x15d: {  	v5 =	vperm.xlane v4, v1;
	_ =	sdelay $0x1  }
0x15e: {  	v5 =	vadd.s32 v2, v5;
	_ =	sdelay $0x1  }
0x15f: {  	v4 =	vperm.xlane v4, v3;
	_ =	sdelay $0x1  }
0x160: {  	s22 =	simm.s32 $0x4200;
	v4 =	vadd.s32 v2, v4  }
0x161: {  	[tilespmem:s22], [sflag:$0x1] =	stream.indirect_vreg.gather [hbm4b:s1+s3], $0x80, v5, vm0, $0xb8;
	[tilespmem:$0x10200] =	vst v63  }
0x162: {  	_ = 	snop  }
0x163: {  	[tilespmem:s29], [sflag:$0x1] =	stream.indirect_vreg.gather [hbm4b:s6+s3], $0x80, v5, vm0, $0xb8;
	[tilespmem:$0x10200] =	vst v63  }
0x164: {  	_ = 	snop  }
0x165: {  	[tilespmem:s30], [sflag:$0x1] =	stream.indirect_vreg.gather [hbm4b:s1+s3], $0x80, v4, vm0, $0xb8;
	[tilespmem:$0x10200] =	vst v63  }
0x166: {  	_ = 	snop  }
0x167: {  	[tilespmem:s31], [sflag:$0x1] =	stream.indirect_vreg.gather [hbm4b:s6+s3], $0x80, v4, vm0, $0xb8;
	[tilespmem:$0x10200] =	vst v63  }
0x168: {  	v4 =	vld [tilespmem:$0x130];
	_ =	sdelay $0x4  }
0x169: {  	v5 =	vshll.u32 v4, $0x2  }
0x16a: {  	v4 =	vand.u32 $0x7, v4;
	v5 =	vand.u32 $0xFFFFFFE0, v5  }
0x16b: {  	v4 =	vor.u32 v4, v5  }
0x16c: {  	v5 =	vperm.xlane v4, v1;
	_ =	sdelay $0x1  }
0x16d: {  	v5 =	vadd.s32 v2, v5;
	_ =	sdelay $0x1  }
0x16e: {  	v4 =	vperm.xlane v4, v3;
	_ =	sdelay $0x1  }
0x16f: {  	v4 =	vadd.s32 v2, v4  }
0x170: {  	[tilespmem:s16], [sflag:$0x1] =	stream.indirect_vreg.gather [hbm4b:s1+s3], $0x80, v5, vm0, $0xb8;
	[tilespmem:$0x10200] =	vst v63  }
0x171: {  	_ = 	snop  }
0x172: {  	[tilespmem:s23], [sflag:$0x1] =	stream.indirect_vreg.gather [hbm4b:s6+s3], $0x80, v5, vm0, $0xb8;
	[tilespmem:$0x10200] =	vst v63  }
0x173: {  	_ = 	snop  }
0x174: {  	[tilespmem:s24], [sflag:$0x1] =	stream.indirect_vreg.gather [hbm4b:s1+s3], $0x80, v4, vm0, $0xb8;
	[tilespmem:$0x10200] =	vst v63  }
0x175: {  	_ = 	snop  }
0x176: {  	[tilespmem:s26], [sflag:$0x1] =	stream.indirect_vreg.gather [hbm4b:s6+s3], $0x80, v4, vm0, $0xb8;
	[tilespmem:$0x10200] =	vst v63  }
0x177: {  	_ =	swait.ge [sflag:s17], $0x8000  }
0x178: {  	[sflag:s17] =	ssyncset.done $0x0  }
0x179: {  	s24 =	rddreg [dreg:$0x7];
	[sflag:s17] =	ssyncadd.s32 $0xFFFF8000  }
0x17a: {  	[hbm4b:s24+s3] =	stream.linear.scatter [tilespmem:s0], [sflag:$0x3], $0x8000, $0x38;
	[tilespmem:$0x10200] =	vst v63  }
0x17b: {  	_ =	swait.ge [sflag:s8], $0x8000  }
0x17c: {  	[sflag:s8] =	ssyncset.done $0x0  }
0x17d: {  	[sflag:s8] =	ssyncadd.s32 $0xFFFF8000  }
0x17e: {  	v4 =	vld [tilespmem:$0x140];
	_ =	sdelay $0x4  }
0x17f: {  	v5 =	vshll.u32 v4, $0x2  }
0x180: {  	v4 =	vand.u32 $0x7, v4;
	v5 =	vand.u32 $0xFFFFFFE0, v5  }
0x181: {  	v4 =	vor.u32 v4, v5  }
0x182: {  	v5 =	vperm.xlane v4, v1;
	_ =	sdelay $0x1  }
0x183: {  	v5 =	vadd.s32 v2, v5;
	_ =	sdelay $0x1  }
0x184: {  	v4 =	vperm.xlane v4, v3;
	_ =	sdelay $0x1  }
0x185: {  	v4 =	vadd.s32 v2, v4  }
0x186: {  	[tilespmem:s0], [sflag:$0x2] =	stream.indirect_vreg.gather [hbm4b:s1+s3], $0x80, v5, vm0, $0xb8;
	[tilespmem:$0x10200] =	vst v63  }
0x187: {  	_ = 	snop  }
0x188: {  	[tilespmem:s5], [sflag:$0x2] =	stream.indirect_vreg.gather [hbm4b:s6+s3], $0x80, v5, vm0, $0xb8;
	[tilespmem:$0x10200] =	vst v63  }
0x189: {  	_ = 	snop  }
0x18a: {  	[tilespmem:s13], [sflag:$0x2] =	stream.indirect_vreg.gather [hbm4b:s1+s3], $0x80, v4, vm0, $0xb8;
	[tilespmem:$0x10200] =	vst v63  }
0x18b: {  	s26 =	simm.s32 $0x9A00  }
0x18c: {  	[tilespmem:s26], [sflag:$0x2] =	stream.indirect_vreg.gather [hbm4b:s6+s3], $0x80, v4, vm0, $0xb8;
	[tilespmem:$0x10200] =	vst v63  }
0x18d: {  	v4 =	vld [tilespmem:$0x150];
	_ =	sdelay $0x4  }
0x18e: {  	v5 =	vshll.u32 v4, $0x2  }
0x18f: {  	v4 =	vand.u32 $0x7, v4;
	v5 =	vand.u32 $0xFFFFFFE0, v5  }
0x190: {  	v4 =	vor.u32 v4, v5  }
0x191: {  	v5 =	vperm.xlane v4, v1;
	_ =	sdelay $0x1  }
0x192: {  	v5 =	vadd.s32 v2, v5;
	_ =	sdelay $0x1  }
0x193: {  	v4 =	vperm.xlane v4, v3;
	_ =	sdelay $0x1  }
0x194: {  	v4 =	vadd.s32 v2, v4  }
0x195: {  	[tilespmem:s14], [sflag:$0x2] =	stream.indirect_vreg.gather [hbm4b:s1+s3], $0x80, v5, vm0, $0xb8;
	[tilespmem:$0x10200] =	vst v63  }
0x196: {  	_ = 	snop  }
0x197: {  	[tilespmem:s15], [sflag:$0x2] =	stream.indirect_vreg.gather [hbm4b:s6+s3], $0x80, v5, vm0, $0xb8;
	[tilespmem:$0x10200] =	vst v63  }
0x198: {  	s11 =	simm.s32 $0xB200  }
0x199: {  	[tilespmem:s11], [sflag:$0x2] =	stream.indirect_vreg.gather [hbm4b:s1+s3], $0x80, v4, vm0, $0xb8;
	[tilespmem:$0x10200] =	vst v63  }
0x19a: {  	s18 =	simm.s32 $0xBA00  }
0x19b: {  	[tilespmem:s18], [sflag:$0x2] =	stream.indirect_vreg.gather [hbm4b:s6+s3], $0x80, v4, vm0, $0xb8;
	[tilespmem:$0x10200] =	vst v63  }
0x19c: {  	v4 =	vld [tilespmem:$0x160];
	_ =	sdelay $0x4  }
0x19d: {  	v5 =	vshll.u32 v4, $0x2  }
0x19e: {  	v4 =	vand.u32 $0x7, v4;
	v5 =	vand.u32 $0xFFFFFFE0, v5  }
0x19f: {  	v4 =	vor.u32 v4, v5  }
0x1a0: {  	v5 =	vperm.xlane v4, v1;
	_ =	sdelay $0x1  }
0x1a1: {  	v5 =	vadd.s32 v2, v5;
	_ =	sdelay $0x1  }
0x1a2: {  	v4 =	vperm.xlane v4, v3;
	_ =	sdelay $0x1  }
0x1a3: {  	s2 =	simm.s32 $0xC200;
	v4 =	vadd.s32 v2, v4  }
0x1a4: {  	[tilespmem:s2], [sflag:$0x2] =	stream.indirect_vreg.gather [hbm4b:s1+s3], $0x80, v5, vm0, $0xb8;
	[tilespmem:$0x10200] =	vst v63  }
0x1a5: {  	s19 =	simm.s32 $0xCA00  }
0x1a6: {  	[tilespmem:s19], [sflag:$0x2] =	stream.indirect_vreg.gather [hbm4b:s6+s3], $0x80, v5, vm0, $0xb8;
	[tilespmem:$0x10200] =	vst v63  }
0x1a7: {  	s20 =	simm.s32 $0xD200  }
0x1a8: {  	[tilespmem:s20], [sflag:$0x2] =	stream.indirect_vreg.gather [hbm4b:s1+s3], $0x80, v4, vm0, $0xb8;
	[tilespmem:$0x10200] =	vst v63  }
0x1a9: {  	s21 =	simm.s32 $0xDA00  }
0x1aa: {  	[tilespmem:s21], [sflag:$0x2] =	stream.indirect_vreg.gather [hbm4b:s6+s3], $0x80, v4, vm0, $0xb8;
	[tilespmem:$0x10200] =	vst v63  }
0x1ab: {  	v4 =	vld [tilespmem:$0x170];
	_ =	sdelay $0x4  }
0x1ac: {  	v5 =	vshll.u32 v4, $0x2  }
0x1ad: {  	v4 =	vand.u32 $0x7, v4;
	v5 =	vand.u32 $0xFFFFFFE0, v5  }
0x1ae: {  	v4 =	vor.u32 v4, v5  }
0x1af: {  	v5 =	vperm.xlane v4, v1;
	_ =	sdelay $0x1  }
0x1b0: {  	v5 =	vadd.s32 v2, v5;
	_ =	sdelay $0x1  }
0x1b1: {  	v4 =	vperm.xlane v4, v3;
	_ =	sdelay $0x1  }
0x1b2: {  	s21 =	simm.s32 $0xE200;
	v4 =	vadd.s32 v2, v4  }
0x1b3: {  	[tilespmem:s21], [sflag:$0x2] =	stream.indirect_vreg.gather [hbm4b:s1+s3], $0x80, v5, vm0, $0xb8;
	[tilespmem:$0x10200] =	vst v63  }
0x1b4: {  	s4 =	simm.s32 $0xEA00  }
0x1b5: {  	[tilespmem:s4], [sflag:$0x2] =	stream.indirect_vreg.gather [hbm4b:s6+s3], $0x80, v5, vm0, $0xb8;
	[tilespmem:$0x10200] =	vst v63  }
0x1b6: {  	s18 =	simm.s32 $0xF200  }
0x1b7: {  	[tilespmem:s18], [sflag:$0x2] =	stream.indirect_vreg.gather [hbm4b:s1+s3], $0x80, v4, vm0, $0xb8;
	[tilespmem:$0x10200] =	vst v63  }
0x1b8: {  	s18 =	simm.s32 $0xFA00  }
0x1b9: {  	[tilespmem:s18], [sflag:$0x2] =	stream.indirect_vreg.gather [hbm4b:s6+s3], $0x80, v4, vm0, $0xb8;
	[tilespmem:$0x10200] =	vst v63  }
0x1ba: {  	_ =	swait.ge [sflag:s10], $0x8000  }
0x1bb: {  	[sflag:s10] =	ssyncset.done $0x0  }
0x1bc: {  	s18 =	rddreg [dreg:$0x8];
	[sflag:s10] =	ssyncadd.s32 $0xFFFF8000  }
0x1bd: {  	[hbm4b:s18+s3] =	stream.linear.scatter [tilespmem:s25], [sflag:$0x3], $0x8000, $0x38;
	[tilespmem:$0x10200] =	vst v63  }
0x1be: {  	_ =	swait.ge [sflag:s8], $0x8000  }
0x1bf: {  	[sflag:s8] =	ssyncset.done $0x0  }
0x1c0: {  	[sflag:s8] =	ssyncadd.s32 $0xFFFF8000  }
0x1c1: {  	v4 =	vld [tilespmem:$0x180];
	_ =	sdelay $0x4  }
0x1c2: {  	v5 =	vshll.u32 v4, $0x2  }
0x1c3: {  	v4 =	vand.u32 $0x7, v4;
	v5 =	vand.u32 $0xFFFFFFE0, v5  }
0x1c4: {  	v4 =	vor.u32 v4, v5  }
0x1c5: {  	v5 =	vperm.xlane v4, v1;
	_ =	sdelay $0x1  }
0x1c6: {  	v5 =	vadd.s32 v2, v5;
	_ =	sdelay $0x1  }
0x1c7: {  	v4 =	vperm.xlane v4, v3;
	_ =	sdelay $0x1  }
0x1c8: {  	v4 =	vadd.s32 v2, v4  }
0x1c9: {  	[tilespmem:s25], [sflag:$0x1] =	stream.indirect_vreg.gather [hbm4b:s1+s3], $0x80, v5, vm0, $0xb8;
	[tilespmem:$0x10200] =	vst v63  }
0x1ca: {  	s18 =	simm.s32 $0xA00  }
0x1cb: {  	[tilespmem:s18], [sflag:$0x1] =	stream.indirect_vreg.gather [hbm4b:s6+s3], $0x80, v5, vm0, $0xb8;
	[tilespmem:$0x10200] =	vst v63  }
0x1cc: {  	s18 =	simm.s32 $0x1200  }
0x1cd: {  	[tilespmem:s18], [sflag:$0x1] =	stream.indirect_vreg.gather [hbm4b:s1+s3], $0x80, v4, vm0, $0xb8;
	[tilespmem:$0x10200] =	vst v63  }
0x1ce: {  	s18 =	simm.s32 $0x1A00  }
0x1cf: {  	[tilespmem:s18], [sflag:$0x1] =	stream.indirect_vreg.gather [hbm4b:s6+s3], $0x80, v4, vm0, $0xb8;
	[tilespmem:$0x10200] =	vst v63  }
0x1d0: {  	v4 =	vld [tilespmem:$0x190];
	_ =	sdelay $0x4  }
0x1d1: {  	v5 =	vshll.u32 v4, $0x2  }
0x1d2: {  	v4 =	vand.u32 $0x7, v4;
	v5 =	vand.u32 $0xFFFFFFE0, v5  }
0x1d3: {  	v4 =	vor.u32 v4, v5  }
0x1d4: {  	v5 =	vperm.xlane v4, v1;
	_ =	sdelay $0x1  }
0x1d5: {  	v5 =	vadd.s32 v2, v5;
	_ =	sdelay $0x1  }
0x1d6: {  	v4 =	vperm.xlane v4, v3;
	_ =	sdelay $0x1  }
0x1d7: {  	s18 =	simm.s32 $0x2200;
	v4 =	vadd.s32 v2, v4  }
0x1d8: {  	[tilespmem:s18], [sflag:$0x1] =	stream.indirect_vreg.gather [hbm4b:s1+s3], $0x80, v5, vm0, $0xb8;
	[tilespmem:$0x10200] =	vst v63  }
0x1d9: {  	s18 =	simm.s32 $0x2A00  }
0x1da: {  	[tilespmem:s18], [sflag:$0x1] =	stream.indirect_vreg.gather [hbm4b:s6+s3], $0x80, v5, vm0, $0xb8;
	[tilespmem:$0x10200] =	vst v63  }
0x1db: {  	s18 =	simm.s32 $0x3200  }
0x1dc: {  	[tilespmem:s18], [sflag:$0x1] =	stream.indirect_vreg.gather [hbm4b:s1+s3], $0x80, v4, vm0, $0xb8;
	[tilespmem:$0x10200] =	vst v63  }
0x1dd: {  	s28 =	simm.s32 $0x3A00  }
0x1de: {  	[tilespmem:s28], [sflag:$0x1] =	stream.indirect_vreg.gather [hbm4b:s6+s3], $0x80, v4, vm0, $0xb8;
	[tilespmem:$0x10200] =	vst v63  }
0x1df: {  	v4 =	vld [tilespmem:$0x1A0];
	_ =	sdelay $0x4  }
0x1e0: {  	v5 =	vshll.u32 v4, $0x2  }
0x1e1: {  	v4 =	vand.u32 $0x7, v4;
	v5 =	vand.u32 $0xFFFFFFE0, v5  }
0x1e2: {  	v4 =	vor.u32 v4, v5  }
0x1e3: {  	v5 =	vperm.xlane v4, v1;
	_ =	sdelay $0x1  }
0x1e4: {  	v5 =	vadd.s32 v2, v5;
	_ =	sdelay $0x1  }
0x1e5: {  	v4 =	vperm.xlane v4, v3;
	_ =	sdelay $0x1  }
0x1e6: {  	s28 =	simm.s32 $0x4200;
	v4 =	vadd.s32 v2, v4  }
0x1e7: {  	[tilespmem:s28], [sflag:$0x1] =	stream.indirect_vreg.gather [hbm4b:s1+s3], $0x80, v5, vm0, $0xb8;
	[tilespmem:$0x10200] =	vst v63  }
0x1e8: {  	s29 =	simm.s32 $0x4A00  }
0x1e9: {  	[tilespmem:s29], [sflag:$0x1] =	stream.indirect_vreg.gather [hbm4b:s6+s3], $0x80, v5, vm0, $0xb8;
	[tilespmem:$0x10200] =	vst v63  }
0x1ea: {  	s30 =	simm.s32 $0x5200  }
0x1eb: {  	[tilespmem:s30], [sflag:$0x1] =	stream.indirect_vreg.gather [hbm4b:s1+s3], $0x80, v4, vm0, $0xb8;
	[tilespmem:$0x10200] =	vst v63  }
0x1ec: {  	s31 =	simm.s32 $0x5A00  }
0x1ed: {  	[tilespmem:s31], [sflag:$0x1] =	stream.indirect_vreg.gather [hbm4b:s6+s3], $0x80, v4, vm0, $0xb8;
	[tilespmem:$0x10200] =	vst v63  }
0x1ee: {  	v4 =	vld [tilespmem:$0x1B0];
	_ =	sdelay $0x4  }
0x1ef: {  	v5 =	vshll.u32 v4, $0x2  }
0x1f0: {  	v4 =	vand.u32 $0x7, v4;
	v5 =	vand.u32 $0xFFFFFFE0, v5  }
0x1f1: {  	v4 =	vor.u32 v4, v5  }
0x1f2: {  	v5 =	vperm.xlane v4, v1;
	_ =	sdelay $0x1  }
0x1f3: {  	v5 =	vadd.s32 v2, v5;
	_ =	sdelay $0x1  }
0x1f4: {  	v4 =	vperm.xlane v4, v3;
	_ =	sdelay $0x1  }
0x1f5: {  	s9 =	simm.s32 $0x6200;
	v4 =	vadd.s32 v2, v4  }
0x1f6: {  	[tilespmem:s9], [sflag:$0x1] =	stream.indirect_vreg.gather [hbm4b:s1+s3], $0x80, v5, vm0, $0xb8;
	[tilespmem:$0x10200] =	vst v63  }
0x1f7: {  	s16 =	simm.s32 $0x6A00  }
0x1f8: {  	[tilespmem:s16], [sflag:$0x1] =	stream.indirect_vreg.gather [hbm4b:s6+s3], $0x80, v5, vm0, $0xb8;
	[tilespmem:$0x10200] =	vst v63  }
0x1f9: {  	s22 =	simm.s32 $0x7200  }
0x1fa: {  	[tilespmem:s22], [sflag:$0x1] =	stream.indirect_vreg.gather [hbm4b:s1+s3], $0x80, v4, vm0, $0xb8;
	[tilespmem:$0x10200] =	vst v63  }
0x1fb: {  	s23 =	simm.s32 $0x7A00  }
0x1fc: {  	[tilespmem:s23], [sflag:$0x1] =	stream.indirect_vreg.gather [hbm4b:s6+s3], $0x80, v4, vm0, $0xb8;
	[tilespmem:$0x10200] =	vst v63  }
0x1fd: {  	_ =	swait.ge [sflag:s17], $0x8000  }
0x1fe: {  	[sflag:s17] =	ssyncset.done $0x0  }
0x1ff: {  	s23 =	rddreg [dreg:$0x9];
	[sflag:s17] =	ssyncadd.s32 $0xFFFF8000  }
0x200: {  	[hbm4b:s23+s3] =	stream.linear.scatter [tilespmem:s0], [sflag:$0x3], $0x8000, $0x38;
	[tilespmem:$0x10200] =	vst v63  }
0x201: {  	_ =	swait.ge [sflag:s8], $0x8000  }
0x202: {  	[sflag:s8] =	ssyncset.done $0x0  }
0x203: {  	[sflag:s8] =	ssyncadd.s32 $0xFFFF8000  }
0x204: {  	v4 =	vld [tilespmem:$0x1C0];
	_ =	sdelay $0x4  }
0x205: {  	v5 =	vshll.u32 v4, $0x2  }
0x206: {  	v4 =	vand.u32 $0x7, v4;
	v5 =	vand.u32 $0xFFFFFFE0, v5  }
0x207: {  	v4 =	vor.u32 v4, v5  }
0x208: {  	v5 =	vperm.xlane v4, v1;
	_ =	sdelay $0x1  }
0x209: {  	v5 =	vadd.s32 v2, v5;
	_ =	sdelay $0x1  }
0x20a: {  	v4 =	vperm.xlane v4, v3;
	_ =	sdelay $0x1  }
0x20b: {  	v4 =	vadd.s32 v2, v4  }
0x20c: {  	[tilespmem:s0], [sflag:$0x2] =	stream.indirect_vreg.gather [hbm4b:s1+s3], $0x80, v5, vm0, $0xb8;
	[tilespmem:$0x10200] =	vst v63  }
0x20d: {  	s5 =	simm.s32 $0x8A00  }
0x20e: {  	[tilespmem:s5], [sflag:$0x2] =	stream.indirect_vreg.gather [hbm4b:s6+s3], $0x80, v5, vm0, $0xb8;
	[tilespmem:$0x10200] =	vst v63  }
0x20f: {  	s12 =	simm.s32 $0x9200  }
0x210: {  	[tilespmem:s12], [sflag:$0x2] =	stream.indirect_vreg.gather [hbm4b:s1+s3], $0x80, v4, vm0, $0xb8;
	[tilespmem:$0x10200] =	vst v63  }
0x211: {  	s28 =	simm.s32 $0x9A00  }
0x212: {  	[tilespmem:s28], [sflag:$0x2] =	stream.indirect_vreg.gather [hbm4b:s6+s3], $0x80, v4, vm0, $0xb8;
	[tilespmem:$0x10200] =	vst v63  }
0x213: {  	v4 =	vld [tilespmem:$0x1D0];
	_ =	sdelay $0x4  }
0x214: {  	v5 =	vshll.u32 v4, $0x2  }
0x215: {  	v4 =	vand.u32 $0x7, v4;
	v5 =	vand.u32 $0xFFFFFFE0, v5  }
0x216: {  	v4 =	vor.u32 v4, v5  }
0x217: {  	v5 =	vperm.xlane v4, v1;
	_ =	sdelay $0x1  }
0x218: {  	v5 =	vadd.s32 v2, v5;
	_ =	sdelay $0x1  }
0x219: {  	v4 =	vperm.xlane v4, v3;
	_ =	sdelay $0x1  }
0x21a: {  	s13 =	simm.s32 $0xA200;
	v4 =	vadd.s32 v2, v4  }
0x21b: {  	[tilespmem:s13], [sflag:$0x2] =	stream.indirect_vreg.gather [hbm4b:s1+s3], $0x80, v5, vm0, $0xb8;
	[tilespmem:$0x10200] =	vst v63  }
0x21c: {  	s14 =	simm.s32 $0xAA00  }
0x21d: {  	[tilespmem:s14], [sflag:$0x2] =	stream.indirect_vreg.gather [hbm4b:s6+s3], $0x80, v5, vm0, $0xb8;
	[tilespmem:$0x10200] =	vst v63  }
0x21e: {  	s24 =	simm.s32 $0xB200  }
0x21f: {  	[tilespmem:s24], [sflag:$0x2] =	stream.indirect_vreg.gather [hbm4b:s1+s3], $0x80, v4, vm0, $0xb8;
	[tilespmem:$0x10200] =	vst v63  }
0x220: {  	s26 =	simm.s32 $0xBA00  }
0x221: {  	[tilespmem:s26], [sflag:$0x2] =	stream.indirect_vreg.gather [hbm4b:s6+s3], $0x80, v4, vm0, $0xb8;
	[tilespmem:$0x10200] =	vst v63  }
0x222: {  	v4 =	vld [tilespmem:$0x1E0];
	_ =	sdelay $0x4  }
0x223: {  	v5 =	vshll.u32 v4, $0x2  }
0x224: {  	v4 =	vand.u32 $0x7, v4;
	v5 =	vand.u32 $0xFFFFFFE0, v5  }
0x225: {  	v4 =	vor.u32 v4, v5  }
0x226: {  	v5 =	vperm.xlane v4, v1;
	_ =	sdelay $0x1  }
0x227: {  	v5 =	vadd.s32 v2, v5;
	_ =	sdelay $0x1  }
0x228: {  	v4 =	vperm.xlane v4, v3;
	_ =	sdelay $0x1  }
0x229: {  	s15 =	simm.s32 $0xC200;
	v4 =	vadd.s32 v2, v4  }
0x22a: {  	[tilespmem:s15], [sflag:$0x2] =	stream.indirect_vreg.gather [hbm4b:s1+s3], $0x80, v5, vm0, $0xb8;
	[tilespmem:$0x10200] =	vst v63  }
0x22b: {  	s2 =	simm.s32 $0xCA00  }
0x22c: {  	[tilespmem:s2], [sflag:$0x2] =	stream.indirect_vreg.gather [hbm4b:s6+s3], $0x80, v5, vm0, $0xb8;
	[tilespmem:$0x10200] =	vst v63  }
0x22d: {  	s19 =	simm.s32 $0xD200  }
0x22e: {  	[tilespmem:s19], [sflag:$0x2] =	stream.indirect_vreg.gather [hbm4b:s1+s3], $0x80, v4, vm0, $0xb8;
	[tilespmem:$0x10200] =	vst v63  }
0x22f: {  	s11 =	simm.s32 $0xDA00  }
0x230: {  	[tilespmem:s11], [sflag:$0x2] =	stream.indirect_vreg.gather [hbm4b:s6+s3], $0x80, v4, vm0, $0xb8;
	[tilespmem:$0x10200] =	vst v63  }
0x231: {  	v4 =	vld [tilespmem:$0x1F0];
	_ =	sdelay $0x4  }
0x232: {  	v5 =	vshll.u32 v4, $0x2  }
0x233: {  	v4 =	vand.u32 $0x7, v4;
	v5 =	vand.u32 $0xFFFFFFE0, v5  }
0x234: {  	v4 =	vor.u32 v4, v5  }
0x235: {  	v5 =	vperm.xlane v4, v1;
	_ =	sdelay $0x1  }
0x236: {  	v5 =	vadd.s32 v2, v5;
	_ =	sdelay $0x1  }
0x237: {  	v4 =	vperm.xlane v4, v3;
	_ =	sdelay $0x1  }
0x238: {  	s21 =	simm.s32 $0xE200;
	v4 =	vadd.s32 v2, v4  }
0x239: {  	[tilespmem:s21], [sflag:$0x2] =	stream.indirect_vreg.gather [hbm4b:s1+s3], $0x80, v5, vm0, $0xb8;
	[tilespmem:$0x10200] =	vst v63  }
0x23a: {  	s20 =	simm.s32 $0xEA00  }
0x23b: {  	[tilespmem:s20], [sflag:$0x2] =	stream.indirect_vreg.gather [hbm4b:s6+s3], $0x80, v5, vm0, $0xb8;
	[tilespmem:$0x10200] =	vst v63  }
0x23c: {  	s4 =	simm.s32 $0xF200  }
0x23d: {  	[tilespmem:s4], [sflag:$0x2] =	stream.indirect_vreg.gather [hbm4b:s1+s3], $0x80, v4, vm0, $0xb8;
	[tilespmem:$0x10200] =	vst v63  }
0x23e: {  	s29 =	simm.s32 $0xFA00  }
0x23f: {  	[tilespmem:s29], [sflag:$0x2] =	stream.indirect_vreg.gather [hbm4b:s6+s3], $0x80, v4, vm0, $0xb8;
	[tilespmem:$0x10200] =	vst v63  }
0x240: {  	_ =	swait.ge [sflag:s10], $0x8000  }
0x241: {  	[sflag:s10] =	ssyncset.done $0x0  }
0x242: {  	s30 =	rddreg [dreg:$0xa];
	[sflag:s10] =	ssyncadd.s32 $0xFFFF8000  }
0x243: {  	[hbm4b:s30+s3] =	stream.linear.scatter [tilespmem:s25], [sflag:$0x3], $0x8000, $0x38;
	[tilespmem:$0x10200] =	vst v63  }
0x244: {  	_ =	swait.ge [sflag:s8], $0x8000  }
0x245: {  	[sflag:s8] =	ssyncset.done $0x0  }
0x246: {  	[sflag:s8] =	ssyncadd.s32 $0xFFFF8000  }
0x247: {  	_ =	swait.ge [sflag:s17], $0x8000  }
0x248: {  	p0 =	sne.s32 s7, $0x1;
	[sflag:s17] =	ssyncset.done $0x0  }
.Ltmp0:
0x249: {  	s31 =	rddreg [dreg:$0xb];
	[sflag:s17] =	ssyncadd.s32 $0xFFFF8000;
	(pc) =	sbr.rel @p0 .LBB2_1-.Ltmp0, $4  }
0x24a: {  	[hbm4b:s31+s3] =	stream.linear.scatter [tilespmem:s0], [sflag:$0x3], $0x8000, $0x38;
	[tilespmem:$0x10200] =	vst v63  }
0x24b: {  	_ =	swait.ge [sflag:s8], $0x8000  }
0x24c: {  	[sflag:s8] =	ssyncset.done $0x0  }
0x24d: {  	s7 =	sadd.s32 $0xFFFFFFFF, s7;
	[sflag:s8] =	ssyncadd.s32 $0xFFFF8000  }
0x24e: {  	_ =	sfence.sel $0x180000  }
0x24f: {  	[bflag:$0x0] =	sbarrier.arrive $0xFFFF  }
0x250: {  	_ =	strace $0x90000047  }
0x251: {  	s0 =	stileid.u32;
	[bflag:$0x2] =	sbarrier.arrive $0xFFFF  }
0x252: {  	p0 =	sne.s32 s0, $0x0;
	s0 =	rddreg [dreg:$0x3]  }
0x253: {  	s0 =	sadd.s32 @!p0 $0x100000, s0  }
0x254: {  	[sflag:s0] =	ssyncadd.tile.s32 @!p0 $0x1;
	_ =	shalt  }
.Lfunc_end2:
_tile_overlayer_lowered:
.L_overlay_start_2:
0x255: {  	(tag) =	ssettag $0x2  }
0x256: {  	s0 =	rddreg [dreg:$0x0];
	s2 =	stileid.u32  }
0x257: {  	s1 =	rddreg [dreg:$0x1];
	p0 =	sne.s32 s2, $0x0  }
0x258: {  	s3 =	rddreg [dreg:$0x2];
	[bflag:$0x3] =	sbarrier.arrive $0xFFFF;
	s2 =	simm.s32 @!p0 $0x1C03  }
0x259: {  	[timem:s3], [sflag:s2] =	dma.local @!p0 [hbm:s0], s1  }
0x25a: {  	s0 =	simm.s32 @!p0 $0x3  }
0x25b: {  	_ =	swait.ge @!p0 [sflag:s0], s1  }
0x25c: {  	s1 =	ssub.s32 @!p0 $0x0, s1;
	[sflag:s0] =	ssyncset.done @!p0 $0x0  }
0x25d: {  	[sflag:s0] =	ssyncadd.s32 @!p0 s1  }
0x25e: {  	[bflag:$0x3] =	sbarrier.arrive $0xFFFF  }
0x25f: {  	_ =	shalt  }

// kernel: kernel.8.cloned.1.call-start
scs
__scs_entry_jumppad:
0x0: {  	(pc) =	sbr.rel $0x88, $3  }
0x1: {  	(tag) =	ssettag $0x0;
	lr =	simm.s32 $0x1  }
0x2: {  	[smem:$0x3F9C] =	sst lr;
	_ =	strace $0xD0000000  }
0x3: {  	_ = 	snop  }
0x4: {  	_ = 	snop  }
0x5: {  	_ = 	snop  }
0x6: {  	_ = 	snop  }
0x7: {  	_ = 	snop  }
__scs_overlays_trampoline_lowered:
0x8: {  	[smem:$0x3FAB] =	sst s0  }
0x9: {  	[smem:$0x3FAC] =	sst s1  }
0xa: {  	[smem:$0x3FAD] =	sst s2  }
0xb: {  	[smem:$0x3FAE] =	sst s3  }
0xc: {  	[smem:$0x3FAF] =	sst s4  }
0xd: {  	[smem:$0x3FB0] =	sst s5  }
0xe: {  	[smem:$0x3FB1] =	sst s6  }
0xf: {  	[smem:$0x3FB2] =	sst s7  }
0x10: {  	[smem:$0x3FB3] =	sst s8  }
0x11: {  	[smem:$0x3FB4] =	sst s9;
	s0 =	simm.s32 @!p0 $0x0  }
0x12: {  	s1 =	sld [smem:$0x3F9A];
	s0 =	simm.s32 @p0 $0x1  }
0x13: {  	[smem:$0x3FB5] =	sst s0;
	s0 =	simm.s32 @!p1 $0x0  }
0x14: {  	s2 =	sld [smem:$0x3F99];
	s0 =	simm.s32 @p1 $0x1  }
0x15: {  	[smem:$0x3FB6] =	sst s0;
	s0 =	simm.s32 @!p2 $0x0  }
0x16: {  	s3 =	sld [smem:$0x3FDB];
	s0 =	simm.s32 @p2 $0x1  }
0x17: {  	s4 =	simm.s32 $0x1BF5;
	[smem:$0x3FB8] =	sst s0  }
0x18: {  	s0 =	sld [smem:$0x3F9B];
	_ =	swait.ge [sflag:s4], $0x0  }
0x19: {  	s7 =	sld [smem:$0x3F9C]  }
0x1a: {  	s8 =	sadd.s32 $0xFFFFE003, lr  }
0x1b: {  	s9 =	sadd.s32 $0xFFFFFEF7, lr;
	s5 =	simm.s32 $0xFFFFFFFF;
	p2 =	slt.u32 s8, $0xFFFFF086  }
0x1c: {  	p1 =	slt.u32 s9, $0xF7A;
	s5 =	simm.s32 @!p2 $0x0  }
0x1d: {  	s5 =	simm.s32 @p1 $0x1;
	p0 =	seq.s32 s7, s2  }
0x1e: {  	s7 =	smul.u32 @!p0 $0xF7A, s2;
	p2 =	seq.s32 @!p0 s5, $0x0  }
0x1f: {  	s9 =	smul.u32 $0xF7A, s1;
	s8 =	simm.s32 @!p0 $0x1BF5;
	p2 =	por !p2, p0  }
0x20: {  	[sflag:s8] =	ssyncset.s32 @!p0 $0xFFFFF086;
	s6 =	sadd.s32 @!p0 s3, s7;
	s7 =	simm.s32 @!p0 $0x108  }
0x21: {  	s3 =	sadd.s32 s3, s9;
	s6 =	sadd.s32 @!p0 $0x88, s6;
	s7 =	simm.s32 @p2 $0x1082  }
0x22: {  	[simem:s7], [sflag:s8] =	dma.local @!p0 [hbm:s6], $0xF7A  }
0x23: {  	s9 =	sor.u32 $0xD0000000, s2;
	s6 =	simm.s32 $0x108;
	_ =	swait.ge @!p0 [sflag:s8], $0x0  }
0x24: {  	s3 =	sadd.s32 $0x88, s3;
	s6 =	simm.s32 @!p1 $0x1082;
	[sflag:s4] =	ssyncset.s32 $0xFFFFF086  }
0x25: {  	[simem:s6], [sflag:s4] =	dma.local [hbm:s3], $0xF7A  }
0x26: {  	[smem:$0x3F9C] =	sst s1;
	(tag) =	ssettag s2;
	_ =	strace s9  }
0x27: {  	s1 =	sld [smem:$0x3FAC]  }
0x28: {  	s2 =	sld [smem:$0x3FAD]  }
0x29: {  	s4 =	sld [smem:$0x3FAF]  }
0x2a: {  	p0 =	seq.s32 s5, $0x0;
	s5 =	sld [smem:$0x3FB0]  }
0x2b: {  	s6 =	sld [smem:$0x3FB1]  }
0x2c: {  	s7 =	sld [smem:$0x3FB2]  }
0x2d: {  	s3 =	simm.s32 $0x108;
	s8 =	sld [smem:$0x3FB3]  }
0x2e: {  	s3 =	simm.s32 @!p0 $0x1082;
	s9 =	sld [smem:$0x3FB4]  }
0x2f: {  	lr =	sadd.s32 s0, s3;
	s0 =	sld [smem:$0x3FAB]  }
0x30: {  	s3 =	sld [smem:$0x3FAE]  }
0x31: {  	[smem:$0x3FB7] =	sst s10  }
0x32: {  	s10 =	sld [smem:$0x3FB5];
	_ =	sdelay $0x3  }
0x33: {  	p0 =	seq.s32 s10, $0x1;
	s10 =	sld [smem:$0x3FB7];
	_ =	sdelay $0x3  }
0x34: {  	[smem:$0x3FB7] =	sst s10  }
0x35: {  	s10 =	sld [smem:$0x3FB6];
	_ =	sdelay $0x3  }
0x36: {  	p1 =	seq.s32 s10, $0x1;
	s10 =	sld [smem:$0x3FB7];
	_ =	sdelay $0x3  }
0x37: {  	[smem:$0x3FB7] =	sst s10  }
0x38: {  	s10 =	sld [smem:$0x3FB8]  }
0x39: {  	_ = 	snop;
	(pc) =	sbr.ind lr, $3  }
0x3a: {  	_ = 	snop  }
0x3b: {  	_ = 	snop  }
0x3c: {  	p2 =	seq.s32 s10, $0x1;
	s10 =	sld [smem:$0x3FB7]  }
0x3d: {  	_ =	shalt  }
0x3e: {  	_ =	shalt  }
0x3f: {  	_ =	shalt  }
0x40: {  	_ =	shalt  }
0x41: {  	_ =	shalt  }
0x42: {  	_ =	shalt  }
0x43: {  	_ =	shalt  }
0x44: {  	_ =	shalt  }
0x45: {  	_ =	shalt  }
0x46: {  	_ =	shalt  }
0x47: {  	_ =	shalt  }
0x48: {  	_ =	shalt  }
0x49: {  	_ =	shalt  }
0x4a: {  	_ =	shalt  }
0x4b: {  	_ =	shalt  }
0x4c: {  	_ =	shalt  }
0x4d: {  	_ =	shalt  }
0x4e: {  	_ =	shalt  }
0x4f: {  	_ =	shalt  }
0x50: {  	_ =	shalt  }
0x51: {  	_ =	shalt  }
0x52: {  	_ =	shalt  }
0x53: {  	_ =	shalt  }
0x54: {  	_ =	shalt  }
0x55: {  	_ =	shalt  }
0x56: {  	_ =	shalt  }
0x57: {  	_ =	shalt  }
0x58: {  	_ =	shalt  }
0x59: {  	_ =	shalt  }
0x5a: {  	_ =	shalt  }
0x5b: {  	_ =	shalt  }
0x5c: {  	_ =	shalt  }
0x5d: {  	_ =	shalt  }
0x5e: {  	_ =	shalt  }
0x5f: {  	_ =	shalt  }
0x60: {  	_ =	shalt  }
0x61: {  	_ =	shalt  }
0x62: {  	_ =	shalt  }
0x63: {  	_ =	shalt  }
0x64: {  	_ =	shalt  }
0x65: {  	_ =	shalt  }
0x66: {  	_ =	shalt  }
0x67: {  	_ =	shalt  }
0x68: {  	_ =	shalt  }
0x69: {  	_ =	shalt  }
0x6a: {  	_ =	shalt  }
0x6b: {  	_ =	shalt  }
0x6c: {  	_ =	shalt  }
0x6d: {  	_ =	shalt  }
0x6e: {  	_ =	shalt  }
0x6f: {  	_ =	shalt  }
0x70: {  	_ =	shalt  }
0x71: {  	_ =	shalt  }
0x72: {  	_ =	shalt  }
0x73: {  	_ =	shalt  }
0x74: {  	_ =	shalt  }
0x75: {  	_ =	shalt  }
0x76: {  	_ =	shalt  }
0x77: {  	_ =	shalt  }
0x78: {  	_ =	shalt  }
0x79: {  	_ =	shalt  }
0x7a: {  	_ =	shalt  }
0x7b: {  	_ =	shalt  }
0x7c: {  	_ =	shalt  }
0x7d: {  	_ =	shalt  }
0x7e: {  	_ =	shalt  }
0x7f: {  	_ =	shalt  }
0x80: {  	_ =	shalt  }
0x81: {  	_ =	shalt  }
0x82: {  	_ =	shalt  }
0x83: {  	_ =	shalt  }
0x84: {  	_ =	shalt  }
0x85: {  	_ =	shalt  }
0x86: {  	_ =	shalt  }
0x87: {  	_ =	shalt  }
.Lfunc_end0:
.L_simem_size_0:
called_computation.1_lowered:
.L_overlay_start_0:
0x88: {  	s2 =	sld [smem:$0x3FD9]  }
0x89: {  	s3 =	sld [smem:$0x3FFE];
	_ =	sdelay $0x1  }
0x8a: {  	s1 =	srdreg.scid  }
0x8b: {  	s0 =	sand.u32 $0x1, s1  }
0x8c: {  	s15 =	sshll.u32 s0, $0xA;
	s2 =	sadd.s32 s3, s2  }
0x8d: {  	s2 =	sadd.s32 s2, s15  }
0x8e: {  	[smem:$0x3FC3] =	sst s2  }
0x8f: {  	_ = 	snop  }
0x90: {  	s2 =	sld [smem:$0x3FD0];
	_ =	sdelay $0x2  }
0x91: {  	s4 =	simm.s32 $0xA;
	s5 =	simm.s32 $0x10;
	s16 =	sld [smem:$0x3FC8]  }
0x92: {  	[smem:s5], [sflag:s4] =	dma.local [hbm:s2], $0x1  }
0x93: {  	_ =	swait.eq [sflag:s4], $0x1  }
0x94: {  	s17 =	sld [smem:$0x11];
	[sflag:s4] =	ssyncset.done $0x0  }
0x95: {  	s18 =	sld [smem:$0x14];
	[sflag:s4] =	ssyncadd.s32 $0xFFFFFFFF  }
0x96: {  	s19 =	sld [smem:$0x15];
	(tm) =	ssettm $0x1  }
0x97: {  	s6 =	sld [smem:$0x3FFB];
	_ =	sdelay $0x3  }
0x98: {  	_ =	strace s6  }
0x99: {  	s6 =	sld [smem:$0x3FFC];
	_ =	sdelay $0x3  }
0x9a: {  	_ =	strace s6  }
0x9b: {  	s6 =	sld [smem:$0x3FFD];
	_ =	sdelay $0x3  }
0x9c: {  	_ =	strace s6  }
0x9d: {  	_ =	strace $0x8FFFFFFF  }
0x9e: {  	s20 =	sld [smem:$0x3FDB];
	_ =	sdelay $0x1  }
0x9f: {  	s7 =	simm.s32 $_scs_section_size  }
0xa0: {  	s8 =	simm.s32 $_size__tile_overlayer_lowered;
	s9 =	simm.s32 $_tile_overlayer_lowered  }
0xa1: {  	s23 =	simm.s32 $0x1BFF;
	s22 =	sshll.u32 s9, $0x1;
	s6 =	sadd.s32 s7, s20  }
0xa2: {  	s10 =	simm.s32 $0x0;
	s21 =	sshll.u32 s8, $0x1;
	s8 =	sadd.s32 s22, s6  }
0xa3: {  	[timem:s10], [sflag:s23] =	dma.local [hbm:s8], s21  }
0xa4: {  	_ =	swait.ge [sflag:s23], s21  }
0xa5: {  	s7 =	ssub.s32 $0x0, s21;
	[sflag:s23] =	ssyncset.done $0x0  }
0xa6: {  	[sflag:s23] =	ssyncadd.s32 s7;
	_ =	sdelay $0x1  }
0xa7: {  	s24 =	simm.s32 $0x1B8B  }
0xa8: {  	_ =	swait.ge [sflag:s24], $0x1  }
0xa9: {  	[sflag:s24] =	ssyncset.done $0x0  }
0xaa: {  	s25 =	simm.s32 $0x1B8E;
	[sflag:s24] =	ssyncadd.s32 $0xFFFFFFFF  }
0xab: {  	s26 =	simm.s32 $execute0_lowered;
	[smem:$0x3FD2] =	sst s25  }
0xac: {  	s7 =	sshll.u32 s26, $0x1;
	_ =	strace $0x80000049;
	[dreg:$0x1] =	wrdreg $0xFFFFFFFF  }
0xad: {  	s28 =	simm.s32 $_size_execute0_lowered;
	s6 =	sadd.s32 s6, s7;
	[dreg:$0x0] =	wrdreg $0x0  }
0xae: {  	s7 =	sshll.u32 s28, $0x1;
	[dreg:$0x2] =	wrdreg s6  }
0xaf: {  	[dreg:$0x3] =	wrdreg s7  }
0xb0: {  	[dreg:$0x4] =	wrdreg $0xC0  }
0xb1: {  	_ =	task [dreg:s10], $0x5FFFF  }
0xb2: {  	[dreg:$0x1] =	wrdreg $0xFFFFFFFF  }
0xb3: {  	[dreg:$0x0] =	wrdreg $0x60  }
0xb4: {  	[dreg:$0x2] =	wrdreg s16  }
0xb5: {  	[dreg:$0x3] =	wrdreg s18  }
0xb6: {  	[dreg:$0x4] =	wrdreg s17  }
0xb7: {  	[dreg:$0x5] =	wrdreg s19  }
0xb8: {  	[dreg:$0x6] =	wrdreg $0x9  }
0xb9: {  	_ =	task.clear_ibuf [dreg:s10], $0x7FFFF;
	_ =	strace $0x90000049  }
0xba: {  	s29 =	simm.s32 $0x9;
	_ =	strace $0x8000004B  }
0xbb: {  	_ =	swait.ge [sflag:s29], $0x1  }
0xbc: {  	[sflag:s29] =	ssyncadd.s32 $0xFFFFFFFF  }
0xbd: {  	_ =	strace $0x9000004B  }
0xbe: {  	_ =	sfence  }
0xbf: {  	s30 =	sld [smem:$0x0];
	_ =	sdelay $0x2  }
0xc0: {  	s31 =	sshll.u32 s1, $0xD;
	s1 =	sshrl.u32 s1, $0x2  }
0xc1: {  	s3 =	sand.u32 $0x4000, s31;
	s1 =	sadd.s32 s1, s30  }
0xc2: {  	s0 =	sor.u32 s3, s0;
	s1 =	sshll.u32 s1, $0x11  }
0xc3: {  	s0 =	sor.u32 s1, s0  }
0xc4: {  	s0 =	sadd.s32 $0x8F2B, s0  }
0xc5: {  	[sflag:s0] =	ssyncadd.remote.s32 $0x1  }
0xc6: {  	_ =	sfence.sel $0xFFFF  }
0xc7: {  	[dreg:$0x0] =	wrdreg $0xFFFFFFFF;
	(pc) =	sbr.abs _section_cstart, $3  }
0xc8: {  	[dreg:$0x1] =	wrdreg $0xFFFFFFFF  }
0xc9: {  	_ =	task.clear_ibuf [dreg:s10], $0x2FFFF;
	_ =	strace $0x9FFFFFFF  }
0xca: {  	(tm) =	ssettm $0x7FFFFFFF  }
0xcb: {  	_ =	shalt  }
tec
execute0_lowered:
.L_overlay_start_1:
0x0: {  	(tag) =	ssettag $0x1  }
0x1: {  	s1 =	stileid.u32  }
0x2: {  	s6 =	rddreg [dreg:$0x0];
	p0 =	sgt.u32 s1, $0x7  }
.Ltmp0:
0x3: {  	s3 =	rddreg [dreg:$0x1];
	(pc) =	sbr.rel @p0 .LBB2_7-.Ltmp0, $4  }
0x4: {  	s4 =	rddreg [dreg:$0x2]  }
0x5: {  	s5 =	rddreg [dreg:$0x3];
	s2 =	simm.s32 $0x0  }
0x6: {  	[smem:$0x7FF] =	sst s2  }
0x7: {  	s0 =	rddreg [dreg:$0x4];
	_ =	strace $0x8000004A  }
0x8: {  	s7 =	srdreg.scid;
	s8 =	sshll.u32 s1, $0x8;
	s9 =	sshrl.u32 s1, $0x2  }
0x9: {  	s11 =	simm.s32 $0x480;
	s12 =	simm.s32 $0x880;
	s7 =	sand.u32 $0x1, s7  }
0xa: {  	s13 =	simm.s32 $0x1880;
	s8 =	sand.u32 $0x300, s8;
	s10 =	sshll.u32 s7, $0x7  }
0xb: {  	s29 =	sshll.u32 s9, $0xD;
	s7 =	ssub.s32 $0x2, s7;
	s8 =	sor.u32 s10, s8  }
0xc: {  	v0 =	vimm.s32 $0x0;
	v1 =	vimm.f32 $1.000000000e+00;
	vm15 =	vcmask $0x3F38;
	s9 =	sshll.u32 s9, $0xF;
	s31 =	sshrl.u32 s7, $0x1;
	s10 =	sor.u32 s29, s8  }
0xd: {  	vm4 =	vcmask $0x3F34;
	vm3 =	vcmask $0x3F30;
	vm6 =	vcmask $0x3F2C;
	s8 =	sor.u32 s9, s8;
	s7 =	ssub.s32 s7, s31;
	s9 =	simm.s32 $0x400  }
0xe: {  	vm5 =	vcmask $0x3F28;
	vm8 =	vcmask $0x3F24;
	vm7 =	vcmask $0x3F20;
	s30 =	sshrl.u32 s10, $0x3;
	s8 =	sshrl.u32 s8, $0x3;
	s7 =	smax.u32 s7, $0x1  }
0xf: {  	vm10 =	vcmask $0x3F1C;
	vm9 =	vcmask $0x3F18;
	vm12 =	vcmask $0x3F14;
	s10 =	simm.s32 $0x1;
	s3 =	sadd.s32 s3, s30;
	s4 =	sadd.s32 s4, s8  }
0x10: {  	vm13 =	vcmask $0x3F10;
	vm14 =	vcmask $0x3F0C;
	vm2 =	vcmask $0x3F08;
	s5 =	sadd.s32 s5, s30;
	s6 =	sadd.s32 s6, s30;
	s8 =	simm.s32 $0x80  }
.LBB2_2:
0x11: {  	s14 =	simm.s32 $0x0  }
0x12: {  	[tilespmem:s14], [sflag:$0x1] =	stream.strided.gather [hbm4b:s6+s8], $0x400, s9, s8, $0x38;
	[tilespmem:$0x1C80] =	vst v63  }
0x13: {  	_ =	swait.ge [sflag:s10], $0x400  }
0x14: {  	[sflag:s10] =	ssyncset.done $0x0  }
0x15: {  	[sflag:s10] =	ssyncadd.s32 $0xFFFFFC00  }
0x16: {  	[tilespmem:s11], [sflag:$0x1] =	stream.strided.gather [hbm4b:s3+s8], $0x400, s9, s8, $0x38;
	[tilespmem:$0x1C80] =	vst v63  }
0x17: {  	_ =	swait.ge [sflag:s10], $0x400  }
0x18: {  	vm11 =	vmmov vm9;
	vm9 =	vmmov vm7;
	[sflag:s10] =	ssyncset.done $0x0  }
0x19: {  	vm7 =	vmmov vm5;
	vm5 =	vmmov vm3;
	vm3 =	vmmov vm15;
	s15 =	simm.s32 $0x0;
	s14 =	simm.s32 $0x40;
	[sflag:s10] =	ssyncadd.s32 $0xFFFFFC00  }
.LBB2_3:
0x1a: {  	p0 =	sne.s32 s14, $0x3FC0;
	[tilespmem:s15+$0x880] =	vst v0;
	s15 =	smov.u32 s14;
	s14 =	sadd.s32 $0x40, s14  }
.Ltmp1:
0x1b: {  	(pc) =	sbr.rel @p0 .LBB2_3-.Ltmp1, $2  }
0x1c: {  	_ =	sdelay $0x2  }
0x1d: {  	s15 =	sshra.s32 s15, $0x2  }
0x1e: {  	[tilespmem:s15+$0x880] =	vst v0;
	s14 =	simm.s32 $0x0  }
0x1f: {  	v2 =	vld [tilespmem:s14+$0x1]  }
0x20: {  	s15 =	simm.s32 $0x40;
	v3 =	vld [tilespmem:s14+$0x2]  }
.LBB2_5:
0x21: {  	p0 =	sne.s32 s15, $0xFC0;
	v4 =	vld [tilespmem:s14+$0x0]  }
0x22: {  	v5 =	vld [tilespmem:s14+$0x3]  }
0x23: {  	v6 =	vld [tilespmem:s14+$0x4]  }
0x24: {  	v7 =	vld [tilespmem:s14+$0x5]  }
0x25: {  	v8 =	vld [tilespmem:s14+$0x6]  }
0x26: {  	vm1 =	vcmask $0x3F3C;
	vm15 =	vne.s32 v4, v2;
	vm0 =	vne.s32 v4, v3;
	v2 =	vld [tilespmem:s14+$0x7]  }
0x27: {  	vm15 =	vmor vm15, vm1;
	vm0 =	vmor vm0, vm3;
	vm1 =	vne.s32 v4, v5;
	v3 =	vld [tilespmem:s14+$0x8]  }
0x28: {  	vm0 =	vmand vm15, vm0;
	vm1 =	vmor vm1, vm4;
	vm15 =	vne.s32 v4, v6;
	v5 =	vld [tilespmem:s14+$0x9]  }
0x29: {  	vm0 =	vmand vm0, vm1;
	vm1 =	vmor vm15, vm5;
	vm15 =	vne.s32 v4, v7;
	v6 =	vld [tilespmem:s14+$0xA]  }
0x2a: {  	vm0 =	vmand vm0, vm1;
	vm1 =	vmor vm15, vm6;
	vm15 =	vne.s32 v4, v8;
	v7 =	vld [tilespmem:s14+$0xB]  }
0x2b: {  	vm0 =	vmand vm0, vm1;
	vm1 =	vmor vm15, vm7;
	vm15 =	vne.s32 v4, v2;
	v2 =	vld [tilespmem:s14+$0xC]  }
0x2c: {  	vm0 =	vmand vm0, vm1;
	vm1 =	vmor vm15, vm8;
	vm15 =	vne.s32 v4, v3;
	v3 =	vld [tilespmem:s14+$0xD]  }
0x2d: {  	vm0 =	vmand vm0, vm1;
	vm1 =	vmor vm15, vm9;
	vm15 =	vne.s32 v4, v5;
	v5 =	vld [tilespmem:s14+$0xE]  }
0x2e: {  	vm0 =	vmand vm0, vm1;
	vm1 =	vmor vm15, vm10;
	vm15 =	vne.s32 v4, v6  }
0x2f: {  	v6 =	vld [tilespmem:s14+$0xF];
	vm0 =	vmand vm0, vm1;
	vm1 =	vmor vm15, vm11;
	vm15 =	vne.s32 v4, v7  }
0x30: {  	vm0 =	vmand vm0, vm1;
	vm1 =	vmor vm15, vm12;
	vm15 =	vne.s32 v4, v2  }
0x31: {  	vm0 =	vmand vm0, vm1;
	vm1 =	vmor vm15, vm13;
	vm15 =	vne.s32 v4, v3  }
0x32: {  	vm0 =	vmand vm0, vm1;
	vm1 =	vmor vm15, vm14;
	vm15 =	vne.s32 v4, v5  }
0x33: {  	vm0 =	vmand vm0, vm1;
	vm1 =	vmor vm15, vm2  }
0x34: {  	vm15 =	vne.s32 v4, v6;
	vm0 =	vmand vm0, vm1;
	vm1 =	vcmask $0x3F04  }
0x35: {  	vm1 =	vmor vm15, vm1  }
0x36: {  	vm0 =	vmand vm0, vm1  }
0x37: {  	v2 =	vld [tilespmem:s14+$0x480];
	_ =	sdelay $0x1  }
0x38: {  	vm1 =	veq.s32 v4, $0x0  }
.Ltmp2:
0x39: {  	v3 =	vsel vm1, $0x0, v1;
	(pc) =	sbr.rel @p0 .LBB2_5-.Ltmp2, $4  }
0x3a: {  	[tilespmem:s14+$0x1880] =	vst v3  }
0x3b: {  	s14 =	sshra.s32 s15, $0x2;
	[tilespmem:v4+s12+$0x0] =	vst.idx.msk vm0, v2  }
0x3c: {  	v2 =	vld [tilespmem:s14+$0x1]  }
0x3d: {  	s15 =	sadd.s32 $0x40, s15;
	v3 =	vld [tilespmem:s14+$0x2]  }
0x3e: {  	v4 =	vld [tilespmem:s14+$0x0]  }
0x3f: {  	v5 =	vld [tilespmem:s14+$0x3]  }
0x40: {  	v6 =	vld [tilespmem:s14+$0x4]  }
0x41: {  	v7 =	vld [tilespmem:s14+$0x5]  }
0x42: {  	v8 =	vld [tilespmem:s14+$0x6]  }
0x43: {  	vm15 =	vcmask $0x3F3C;
	vm0 =	vne.s32 v4, v2;
	vm1 =	vne.s32 v4, v3;
	v2 =	vld [tilespmem:s14+$0x7]  }
0x44: {  	v3 =	vld [tilespmem:s14+$0x8];
	vm0 =	vmor vm0, vm15;
	vm1 =	vmor vm1, vm3;
	vm15 =	vne.s32 v4, v5  }
0x45: {  	v59 =	vld [tilespmem:s14+$0x9];
	vm0 =	vmand vm0, vm1;
	vm1 =	vmor vm15, vm4;
	vm15 =	vne.s32 v4, v6  }
0x46: {  	v60 =	vld [tilespmem:s14+$0xA];
	vm0 =	vmand vm0, vm1;
	vm1 =	vmor vm15, vm5;
	vm15 =	vne.s32 v4, v7  }
0x47: {  	v61 =	vld [tilespmem:s14+$0xB];
	vm0 =	vmand vm0, vm1;
	vm1 =	vmor vm15, vm6;
	vm15 =	vne.s32 v4, v8  }
0x48: {  	vm0 =	vmand vm0, vm1;
	vm1 =	vmor vm15, vm7;
	vm15 =	vne.s32 v4, v2;
	v2 =	vld [tilespmem:s14+$0xC]  }
0x49: {  	vm0 =	vmand vm0, vm1;
	vm1 =	vmor vm15, vm8;
	vm15 =	vne.s32 v4, v3;
	v3 =	vld [tilespmem:s14+$0xD]  }
0x4a: {  	v62 =	vld [tilespmem:s14+$0xE];
	vm0 =	vmand vm0, vm1;
	vm1 =	vmor vm15, vm9;
	vm15 =	vne.s32 v4, v59  }
0x4b: {  	vm0 =	vmand vm0, vm1;
	vm1 =	vmor vm15, vm10;
	vm15 =	vne.s32 v4, v60  }
0x4c: {  	v63 =	vld [tilespmem:s14+$0xF];
	vm0 =	vmand vm0, vm1;
	vm1 =	vmor vm15, vm11;
	vm15 =	vne.s32 v4, v61  }
0x4d: {  	vm0 =	vmand vm0, vm1;
	vm1 =	vmor vm15, vm12;
	vm15 =	vne.s32 v4, v2  }
0x4e: {  	vm0 =	vmand vm0, vm1;
	vm1 =	vmor vm15, vm13;
	vm15 =	vne.s32 v4, v3  }
0x4f: {  	vm0 =	vmand vm0, vm1;
	vm1 =	vmor vm15, vm14;
	vm15 =	vne.s32 v4, v62  }
0x50: {  	vm0 =	vmand vm0, vm1;
	vm1 =	vmor vm15, vm2  }
0x51: {  	vm15 =	vne.s32 v4, v63;
	vm0 =	vmand vm0, vm1;
	vm1 =	vcmask $0x3F04  }
0x52: {  	vm1 =	vmor vm15, vm1  }
0x53: {  	vm0 =	vmand vm0, vm1  }
0x54: {  	v2 =	vld [tilespmem:s14+$0x480];
	_ =	sdelay $0x1  }
0x55: {  	vm1 =	veq.s32 v4, $0x0  }
0x56: {  	v3 =	vsel vm1, $0x0, v1  }
0x57: {  	[tilespmem:s14+$0x1880] =	vst v3  }
0x58: {  	[tilespmem:v4+s12+$0x0] =	vst.idx.msk vm0, v2  }
0x59: {  	[hbm4b:s4+s8] =	stream.strided.scatter [tilespmem:s12], [sflag:$0x1], $0x1000, s9, s8, $0x38;
	[tilespmem:$0x1C80] =	vst v63  }
0x5a: {  	s2 =	sadd.s32 $0x1, s2;
	_ =	swait.ge [sflag:s10], $0x1000  }
0x5b: {  	p0 =	sne.s32 s2, s7;
	[sflag:s10] =	ssyncset.done $0x0  }
.Ltmp3:
0x5c: {  	[sflag:s10] =	ssyncadd.s32 $0xFFFFF000;
	(pc) =	sbr.rel @p0 .LBB2_2-.Ltmp3, $4  }
0x5d: {  	[hbm4b:s5+s8] =	stream.strided.scatter [tilespmem:s13], [sflag:$0x1], $0x400, s9, s8, $0x38;
	[tilespmem:$0x1C80] =	vst v63  }
0x5e: {  	_ =	swait.ge [sflag:s10], $0x400  }
0x5f: {  	vm3 =	vmmov vm5;
	vm5 =	vmmov vm7;
	[sflag:s10] =	ssyncset.done $0x0  }
0x60: {  	vm7 =	vmmov vm9;
	vm9 =	vmmov vm11;
	vm15 =	vcmask $0x3F38;
	[sflag:s10] =	ssyncadd.s32 $0xFFFFFC00  }
.LBB2_7:
0x61: {  	_ =	sfence.sel $0x180000  }
0x62: {  	[bflag:$0x0] =	sbarrier.arrive $0xFFFF  }
0x63: {  	p0 =	sne.s32 s1, $0x0;
	_ =	strace $0x9000004A  }
0x64: {  	s0 =	sadd.s32 @!p0 $0x100000, s0;
	[bflag:$0x2] =	sbarrier.arrive $0xFFFF  }
0x65: {  	[sflag:s0] =	ssyncadd.tile.s32 @!p0 $0x1;
	_ =	shalt  }
.Lfunc_end2:
_tile_overlayer_lowered:
.L_overlay_start_2:
0x66: {  	(tag) =	ssettag $0x2  }
0x67: {  	s0 =	rddreg [dreg:$0x0];
	s2 =	stileid.u32  }
0x68: {  	s1 =	rddreg [dreg:$0x1];
	p0 =	sne.s32 s2, $0x0  }
0x69: {  	s3 =	rddreg [dreg:$0x2];
	[bflag:$0x3] =	sbarrier.arrive $0xFFFF;
	s2 =	simm.s32 @!p0 $0x1C01  }
0x6a: {  	[timem:s3], [sflag:s2] =	dma.local @!p0 [hbm:s0], s1  }
0x6b: {  	s0 =	simm.s32 @!p0 $0x1  }
0x6c: {  	_ =	swait.ge @!p0 [sflag:s0], s1  }
0x6d: {  	s1 =	ssub.s32 @!p0 $0x0, s1;
	[sflag:s0] =	ssyncset.done @!p0 $0x0  }
0x6e: {  	[sflag:s0] =	ssyncadd.s32 @!p0 s1  }
0x6f: {  	[bflag:$0x3] =	sbarrier.arrive $0xFFFF  }
0x70: {  	_ =	shalt  }

</sc_bundles>
